<compile_context>
chip_gen: v7x
topology: tpu7x:2x2x1
jax: 0.10.2.dev20260603
libtpu: 0.0.44.dev20260713+nightly
codegen_flags: <defaults>
</compile_context>

<pallas_src>
import functools

import jax
import jax.numpy as jnp
from jax import lax
from jax.experimental import pallas as pl
from jax.experimental.pallas import tpu as pltpu
from jax.experimental.pallas import tpu_sc as plsc


def _scale_body(t_ref, w_ref, o_ref):
    o_ref[...] = t_ref[...] * w_ref[pl.program_id(0), 0]


def _scale_tables(tables2d, w_feat, nd, v, d):
    return pl.pallas_call(
        _scale_body,
        grid=(nd,),
        in_specs=[
            pl.BlockSpec((v, d), lambda f: (f, 0)),
            pl.BlockSpec(memory_space=pltpu.SMEM),
        ],
        out_specs=pl.BlockSpec((v, d), lambda f: (f, 0)),
        out_shape=jax.ShapeDtypeStruct((nd * v, d), jnp.float32),
    )(tables2d, w_feat)


_SUB = 128


def _make_gather(nd, v, d, b, nw):
    bpw = b // nw
    nsub = bpw // _SUB
    nrow = nd * nsub
    mesh = plsc.VectorSubcoreMesh(
        core_axis_name="c", subcore_axis_name="s",
        num_cores=2, num_subcores=16,
    )
    ncores = mesh.num_cores

    assert nsub == 4
    scratch = [
        pltpu.VMEM((nrow, _SUB), jnp.int32),
        pltpu.VMEM((bpw, d), jnp.float32),
        pltpu.SemaphoreType.DMA,
        pltpu.SemaphoreType.DMA,
        pltpu.SemaphoreType.DMA,
        pltpu.SemaphoreType.DMA,
    ]

    @functools.partial(
        pl.kernel,
        mesh=mesh,
        out_type=jax.ShapeDtypeStruct((b, d), jnp.float32),
        scratch_types=scratch,
    )
    def _gather(idx_hbm, st_hbm, out_hbm, idx_v, acc_v, s0, s1, s2, s3):
        sems = (s0, s1, s2, s3)
        wid = lax.axis_index("s") * ncores + lax.axis_index("c")
        base = wid * bpw
        pltpu.sync_copy(idx_hbm.at[wid], idx_v)

        def _off_body(r, carry):
            off = (r // nsub) * v
            for j in range(_SUB // 16):
                sl = pl.ds(j * 16, 16)
                idx_v[r, sl] = idx_v[r, sl] + off
            return carry

        lax.fori_loop(0, nrow, _off_body, 0)

        def _acc_at(c):
            return acc_v.at[pl.ds(c * _SUB, _SUB), :]

        dummy_src = st_hbm.at[pl.ds(0, _SUB), :]

        for c in range(nsub):
            pltpu.async_copy(st_hbm.at[idx_v.at[c]], _acc_at(c), sems[c])

        for c in range(nsub):
            pltpu.make_async_copy(dummy_src, _acc_at(c), sems[c]).wait()

            def _fire(f, carry, c=c):
                pltpu.async_copy(
                    st_hbm.at[idx_v.at[f * nsub + c]], _acc_at(c),
                    sems[c], add=True,
                )
                return carry

            lax.fori_loop(1, nd, _fire, 0)

        for c in range(nsub):
            def _drain(f, carry, c=c):
                pltpu.make_async_copy(dummy_src, _acc_at(c), sems[c]).wait()
                return carry

            lax.fori_loop(1, nd, _drain, 0)
            pltpu.sync_copy(
                acc_v.at[pl.ds(c * _SUB, _SUB), :],
                out_hbm.at[pl.ds(base + c * _SUB, _SUB), :],
            )

    return _gather


def _finish_body(cont_ref, pre_ref, w1_ref, b1_ref, w2_ref, b2_ref,
                 w0_ref, cb_ref, g_ref, bt_ref, o_ref):
    cf = cont_ref[...]
    cf = jnp.where(jnp.isnan(cf), 0.0, cf)
    h = jnp.dot(cf, w1_ref[...], preferred_element_type=jnp.float32)
    h = jnp.maximum(h + b1_ref[...], 0.0)
    h = jnp.clip(h, -65000.0, 65000.0)
    e = jnp.dot(h, w2_ref[...], preferred_element_type=jnp.float32)
    e = jnp.maximum(e + b2_ref[...], 0.0)
    x = pre_ref[...] + e * w0_ref[...] + cb_ref[...]
    mu = jnp.mean(x, axis=-1, keepdims=True)
    xc = x - mu
    var = jnp.mean(xc * xc, axis=-1, keepdims=True)
    o_ref[...] = xc * lax.rsqrt(var + 1e-5) * g_ref[...] + bt_ref[...]


def _finish(cont, pre, w1, b1, w2, b2, w0, cb, gamma, beta, blk):
    b, nc = cont.shape
    d = pre.shape[1]
    nh = w1.shape[1]

    def full(shape):
        return pl.BlockSpec(shape, lambda i: (0, 0))

    return pl.pallas_call(
        _finish_body,
        grid=(b // blk,),
        in_specs=[
            pl.BlockSpec((blk, nc), lambda i: (i, 0)),
            pl.BlockSpec((blk, d), lambda i: (i, 0)),
            full((nc, nh)), full((1, nh)), full((nh, d)), full((1, d)),
            full((1, 1)), full((1, 1)), full((1, d)), full((1, d)),
        ],
        out_specs=pl.BlockSpec((blk, d), lambda i: (i, 0)),
        out_shape=jax.ShapeDtypeStruct((b, d), jnp.float32),
    )(cont, pre, w1, b1.reshape(1, nh), w2, b2.reshape(1, d),
      w0, cb, gamma.reshape(1, d), beta.reshape(1, d))


def kernel(cont, disc, W1, b1, W2, b2, tables, combine_w, combine_b,
           gamma, beta):
    b, nc = cont.shape
    nd, v, d = tables.shape
    nw = 32

    tables2d = tables.reshape(nd * v, d)
    bpw = b // nw
    nsub = bpw // _SUB
    idx_w = (
        disc.T.reshape(nd, nw, nsub, _SUB)
        .transpose(1, 0, 2, 3)
        .reshape(nw, nd * nsub, _SUB)
    )
    scaled = _scale_tables(tables2d, combine_w[1:], nd, v, d)
    pre = _make_gather(nd, v, d, b, nw)(idx_w, scaled)
    out = _finish(cont, pre, W1, b1, W2, b2,
                  combine_w[0:1], combine_b.reshape(1, 1), gamma, beta,
                  blk=1024)
    return out

# --- scband reference (transcript-rebuilt; emitter-appended) ---
"""Pipeline reference for scband-combined-embedder-59047210385899 (READ-ONLY COPY).

The authoritative reference and input builder live on the scoring server;
editing this copy changes nothing except your own understanding.
"""

import jax, jax.numpy as jnp
import numpy as np

B = 16384
NC = 16   # continuous features
ND = 26   # discrete features
V = 1000  # vocab per discrete feature
D = 128   # embed_dim

def setup_inputs(seed: int = 0) -> dict:
    key = jax.random.key(seed)
    ks = jax.random.split(key, 12)
    cont = jax.random.normal(ks[0], (B, NC), dtype=jnp.float32)
    disc = jax.random.randint(ks[1], (B, ND), 0, V, dtype=jnp.int32)
    # learned params
    W1 = jax.random.normal(ks[2], (NC, 2 * NC), dtype=jnp.float32) * 0.1
    b1 = jnp.zeros((2 * NC,), dtype=jnp.float32)
    W2 = jax.random.normal(ks[3], (2 * NC, D), dtype=jnp.float32) * 0.1
    b2 = jnp.zeros((D,), dtype=jnp.float32)
    tables = jax.random.normal(ks[4], (ND, V, D), dtype=jnp.float32) * 0.02
    combine_w = jax.random.normal(ks[5], (ND + 1, 1), dtype=jnp.float32) * 0.1
    combine_b = jnp.zeros((1,), dtype=jnp.float32)
    gamma = jnp.ones((D,), dtype=jnp.float32)
    beta = jnp.zeros((D,), dtype=jnp.float32)
    return {"cont": cont, "disc": disc, "W1": W1, "b1": b1, "W2": W2, "b2": b2,
            "tables": tables, "combine_w": combine_w, "combine_b": combine_b,
            "gamma": gamma, "beta": beta}

def reference(cont, disc, W1, b1, W2, b2, tables, combine_w, combine_b, gamma, beta):
    # continuous branch: cf[cf.isnan()] = 0, then two relu linears with clip
    cf = jnp.where(jnp.isnan(cont), 0.0, cont)
    h = jax.nn.relu(cf @ W1 + b1)                 # dropout p=0.0 -> identity
    h = jnp.clip(h, -65000.0, 65000.0)
    cf_emb = jax.nn.relu(h @ W2 + b2)             # [B, D]
    # discrete branch: per-feature embedding lookup (F.dropout treated as identity/eval)
    # tables: [ND, V, D], disc: [B, ND] -> [B, D, ND]
    disc_embs = jax.vmap(lambda t, idx: t[idx], in_axes=(0, 1), out_axes=2)(tables, disc)
    # stack: [cf_emb] + disc embeddings along last axis -> [B, D, ND+1]
    combined = jnp.concatenate([cf_emb[..., None], disc_embs], axis=-1)
    # combine linear (ND+1 -> 1) then squeeze -> [B, D]
    out = jnp.tensordot(combined, combine_w[:, 0], axes=[[2], [0]]) + combine_b[0]
    # layer norm over last dim (eps=1e-5)
    mu = jnp.mean(out, axis=-1, keepdims=True)
    var = jnp.mean((out - mu) ** 2, axis=-1, keepdims=True)
    out = (out - mu) / jnp.sqrt(var + 1e-5) * gamma + beta
    return out

if __name__ == "__main__":
    import jax
    _d = setup_inputs()
    print(jax.jit(kernel)(*tuple(_d.values())))

</pallas_src>

<mosaic_0001>
#map = affine_map<(d0, d1) -> (0, 0, 0)>
#map1 = affine_map<(d0, d1) -> (0, 0)>
module attributes {stable_mosaic.version = 14 : i64} {
  func.func @_gather(%arg0: i32, %arg1: i32, %arg2: memref<32x104x128xi32, #tpu.memory_space<hbm>>, %arg3: memref<26000x128xf32, #tpu.memory_space<hbm>>, %arg4: memref<16384x128xf32, #tpu.memory_space<hbm>>, %arg5: memref<104x128xi32, #tpu.memory_space<vmem>>, %arg6: memref<512x128xf32, #tpu.memory_space<vmem>>, %arg7: memref<!tpu.dma_semaphore, #tpu.memory_space<semaphore_mem>>, %arg8: memref<!tpu.dma_semaphore, #tpu.memory_space<semaphore_mem>>, %arg9: memref<!tpu.dma_semaphore, #tpu.memory_space<semaphore_mem>>, %arg10: memref<!tpu.dma_semaphore, #tpu.memory_space<semaphore_mem>>) attributes {dimension_semantics = [#tpu.dimension_semantics<core_parallel>, #tpu.dimension_semantics<subcore_parallel>], iteration_bounds = array<i64: 2, 16>, scalar_prefetch = 0 : i64, scratch_operands = 6 : i64, tpu.core_type = #tpu.core_type<sc_vector_subcore>, window_params = [{transform_indices = #map}, {transform_indices = #map1}, {transform_indices = #map1}]} {
    %mul3A = arith.constant 2 : i32
    %mul3A_0 = arith.muli %arg1, %mul3A : i32
    %add3A = arith.addi %mul3A_0, %arg0 : i32
    %mul3A_1 = arith.constant 512 : i32
    %mul3A_2 = arith.muli %add3A, %mul3A_1 : i32
    "tpu.region"() ({
      %run_scoped3A = tpu.sem_alloc : memref<!tpu.dma_semaphore, #tpu.memory_space<semaphore_mem>>
      %dma_start3A_150 = arith.constant 0 : i32
      %dma_start3A_151 = arith.constant 0 : i32
      %dma_start3A_152 = tpu.memref_slice %arg2[%add3A, %dma_start3A_150, %dma_start3A_151] : memref<32x104x128xi32, #tpu.memory_space<hbm>> -> memref<1x104x128xi32, #tpu.memory_space<hbm>>
      %dma_start3A_153 = tpu.memref_squeeze %dma_start3A_152 : memref<1x104x128xi32, #tpu.memory_space<hbm>> -> memref<104x128xi32, #tpu.memory_space<hbm>>
      %dma_start3A_154 = arith.constant 0 : i32
      %dma_start3A_155 = arith.constant 0 : i32
      %dma_start3A_156 = tpu.memref_slice %arg2[%add3A, %dma_start3A_154, %dma_start3A_155] : memref<32x104x128xi32, #tpu.memory_space<hbm>> -> memref<1x104x128xi32, #tpu.memory_space<hbm>>
      %dma_start3A_157 = tpu.memref_squeeze %dma_start3A_156 : memref<1x104x128xi32, #tpu.memory_space<hbm>> -> memref<104x128xi32, #tpu.memory_space<hbm>>
      tpu.enqueue_dma source(%dma_start3A_157 : memref<104x128xi32, #tpu.memory_space<hbm>>) target(%arg5 : memref<104x128xi32, #tpu.memory_space<vmem>>) target_semaphore(%run_scoped3A : memref<!tpu.dma_semaphore, #tpu.memory_space<semaphore_mem>>)
      %dma_wait3A_158 = arith.constant 0 : i32
      %dma_wait3A_159 = arith.constant 0 : i32
      %dma_wait3A_160 = tpu.memref_slice %arg2[%add3A, %dma_wait3A_158, %dma_wait3A_159] : memref<32x104x128xi32, #tpu.memory_space<hbm>> -> memref<1x104x128xi32, #tpu.memory_space<hbm>>
      %dma_wait3A_161 = tpu.memref_squeeze %dma_wait3A_160 : memref<1x104x128xi32, #tpu.memory_space<hbm>> -> memref<104x128xi32, #tpu.memory_space<hbm>>
      %dma_wait3A_162 = arith.constant 0 : i32
      %dma_wait3A_163 = arith.constant 0 : i32
      %dma_wait3A_164 = tpu.memref_slice %arg2[%add3A, %dma_wait3A_162, %dma_wait3A_163] : memref<32x104x128xi32, #tpu.memory_space<hbm>> -> memref<1x104x128xi32, #tpu.memory_space<hbm>>
      %dma_wait3A_165 = tpu.memref_squeeze %dma_wait3A_164 : memref<1x104x128xi32, #tpu.memory_space<hbm>> -> memref<104x128xi32, #tpu.memory_space<hbm>>
      tpu.wait_dma2 semaphore(%run_scoped3A : memref<!tpu.dma_semaphore, #tpu.memory_space<semaphore_mem>>) src(%dma_wait3A_165 : memref<104x128xi32, #tpu.memory_space<hbm>>) dst(%arg5 : memref<104x128xi32, #tpu.memory_space<vmem>>)
      tpu.yield
    }) : () -> ()
    %scan3A = arith.constant 0 : i32
    %scan3A_3 = arith.constant 0 : i32
    %scan3A_4 = arith.constant 104 : i32
    %scan3A_5 = arith.addi %scan3A_3, %scan3A_4 : i32
    %scan3A_6 = arith.constant 1 : i32
    scf.for %scan3A_150 = %scan3A_3 to %scan3A_5 step %scan3A_6  : i32 {
      %jit3A = arith.constant 4 : i32
      %div3A = arith.divsi %scan3A_150, %jit3A : i32
      %sign3A = arith.constant 0 : i32
      %sign3A_151 = arith.cmpi sgt, %scan3A_150, %sign3A : i32
      %sign3A_152 = arith.extui %sign3A_151 : i1 to i32
      %sign3A_153 = arith.constant 0 : i32
      %sign3A_154 = arith.cmpi slt, %scan3A_150, %sign3A_153 : i32
      %sign3A_155 = arith.extui %sign3A_154 : i1 to i32
      %sign3A_156 = arith.subi %sign3A_152, %sign3A_155 : i32
      %sign3A_157 = arith.constant 0 : i32
      %sign3A_158 = arith.cmpi sgt, %jit3A, %sign3A_157 : i32
      %sign3A_159 = arith.extui %sign3A_158 : i1 to i32
      %sign3A_160 = arith.constant 0 : i32
      %sign3A_161 = arith.cmpi slt, %jit3A, %sign3A_160 : i32
      %sign3A_162 = arith.extui %sign3A_161 : i1 to i32
      %sign3A_163 = arith.subi %sign3A_159, %sign3A_162 : i32
      %ne3A = arith.cmpi ne, %sign3A_156, %sign3A_163 : i32
      %rem3A = arith.remsi %scan3A_150, %jit3A : i32
      %ne3A_164 = arith.constant 0 : i32
      %ne3A_165 = arith.cmpi ne, %rem3A, %ne3A_164 : i32
      %and3A = arith.andi %ne3A, %ne3A_165 : i1
      %sub3A = arith.constant 1 : i32
      %sub3A_166 = arith.subi %div3A, %sub3A : i32
      %select_n3A = arith.select %and3A, %sub3A_166, %div3A : i32
      %mul3A_167 = arith.constant 1000 : i32
      %mul3A_168 = arith.muli %select_n3A, %mul3A_167 : i32
      %get3A = arith.index_cast %scan3A_150 : i32 to index
      %get3A_169 = arith.constant 0 : index
      %get3A_170 = tpu.vector_load %arg5[%get3A, %get3A_169] {strides = array<i32>} : memref<104x128xi32, #tpu.memory_space<vmem>>, vector<1x16xi32>,
      %get3A_171 = vector.shape_cast %get3A_170 : vector<1x16xi32> to vector<16xi32>
      %add3A_172 = vector.broadcast %mul3A_168 : i32 to vector<16xi32>
      %add3A_173 = arith.addi %get3A_171, %add3A_172 : vector<16xi32>
      %swap3A = arith.index_cast %scan3A_150 : i32 to index
      %swap3A_174 = arith.constant 0 : index
      %swap3A_175 = tpu.vector_load %arg5[%swap3A, %swap3A_174] {strides = array<i32>} : memref<104x128xi32, #tpu.memory_space<vmem>>, vector<1x16xi32>,
      %swap3A_176 = vector.shape_cast %swap3A_175 : vector<1x16xi32> to vector<16xi32>
      %swap3A_177 = vector.shape_cast %add3A_173 : vector<16xi32> to vector<1x16xi32>
      tpu.vector_store %arg5[%swap3A, %swap3A_174], %swap3A_177 {strides = array<i32>} : memref<104x128xi32, #tpu.memory_space<vmem>>, vector<1x16xi32>,
      %get3A_178 = arith.index_cast %scan3A_150 : i32 to index
      %get3A_179 = arith.constant 16 : index
      %get3A_180 = tpu.vector_load %arg5[%get3A_178, %get3A_179] {strides = array<i32>} : memref<104x128xi32, #tpu.memory_space<vmem>>, vector<1x16xi32>,
      %get3A_181 = vector.shape_cast %get3A_180 : vector<1x16xi32> to vector<16xi32>
      %add3A_182 = vector.broadcast %mul3A_168 : i32 to vector<16xi32>
      %add3A_183 = arith.addi %get3A_181, %add3A_182 : vector<16xi32>
      %swap3A_184 = arith.index_cast %scan3A_150 : i32 to index
      %swap3A_185 = arith.constant 16 : index
      %swap3A_186 = tpu.vector_load %arg5[%swap3A_184, %swap3A_185] {strides = array<i32>} : memref<104x128xi32, #tpu.memory_space<vmem>>, vector<1x16xi32>,
      %swap3A_187 = vector.shape_cast %swap3A_186 : vector<1x16xi32> to vector<16xi32>
      %swap3A_188 = vector.shape_cast %add3A_183 : vector<16xi32> to vector<1x16xi32>
      tpu.vector_store %arg5[%swap3A_184, %swap3A_185], %swap3A_188 {strides = array<i32>} : memref<104x128xi32, #tpu.memory_space<vmem>>, vector<1x16xi32>,
      %get3A_189 = arith.index_cast %scan3A_150 : i32 to index
      %get3A_190 = arith.constant 32 : index
      %get3A_191 = tpu.vector_load %arg5[%get3A_189, %get3A_190] {strides = array<i32>} : memref<104x128xi32, #tpu.memory_space<vmem>>, vector<1x16xi32>,
      %get3A_192 = vector.shape_cast %get3A_191 : vector<1x16xi32> to vector<16xi32>
      %add3A_193 = vector.broadcast %mul3A_168 : i32 to vector<16xi32>
      %add3A_194 = arith.addi %get3A_192, %add3A_193 : vector<16xi32>
      %swap3A_195 = arith.index_cast %scan3A_150 : i32 to index
      %swap3A_196 = arith.constant 32 : index
      %swap3A_197 = tpu.vector_load %arg5[%swap3A_195, %swap3A_196] {strides = array<i32>} : memref<104x128xi32, #tpu.memory_space<vmem>>, vector<1x16xi32>,
      %swap3A_198 = vector.shape_cast %swap3A_197 : vector<1x16xi32> to vector<16xi32>
      %swap3A_199 = vector.shape_cast %add3A_194 : vector<16xi32> to vector<1x16xi32>
      tpu.vector_store %arg5[%swap3A_195, %swap3A_196], %swap3A_199 {strides = array<i32>} : memref<104x128xi32, #tpu.memory_space<vmem>>, vector<1x16xi32>,
      %get3A_200 = arith.index_cast %scan3A_150 : i32 to index
      %get3A_201 = arith.constant 48 : index
      %get3A_202 = tpu.vector_load %arg5[%get3A_200, %get3A_201] {strides = array<i32>} : memref<104x128xi32, #tpu.memory_space<vmem>>, vector<1x16xi32>,
      %get3A_203 = vector.shape_cast %get3A_202 : vector<1x16xi32> to vector<16xi32>
      %add3A_204 = vector.broadcast %mul3A_168 : i32 to vector<16xi32>
      %add3A_205 = arith.addi %get3A_203, %add3A_204 : vector<16xi32>
      %swap3A_206 = arith.index_cast %scan3A_150 : i32 to index
      %swap3A_207 = arith.constant 48 : index
      %swap3A_208 = tpu.vector_load %arg5[%swap3A_206, %swap3A_207] {strides = array<i32>} : memref<104x128xi32, #tpu.memory_space<vmem>>, vector<1x16xi32>,
      %swap3A_209 = vector.shape_cast %swap3A_208 : vector<1x16xi32> to vector<16xi32>
      %swap3A_210 = vector.shape_cast %add3A_205 : vector<16xi32> to vector<1x16xi32>
      tpu.vector_store %arg5[%swap3A_206, %swap3A_207], %swap3A_210 {strides = array<i32>} : memref<104x128xi32, #tpu.memory_space<vmem>>, vector<1x16xi32>,
      %get3A_211 = arith.index_cast %scan3A_150 : i32 to index
      %get3A_212 = arith.constant 64 : index
      %get3A_213 = tpu.vector_load %arg5[%get3A_211, %get3A_212] {strides = array<i32>} : memref<104x128xi32, #tpu.memory_space<vmem>>, vector<1x16xi32>,
      %get3A_214 = vector.shape_cast %get3A_213 : vector<1x16xi32> to vector<16xi32>
      %add3A_215 = vector.broadcast %mul3A_168 : i32 to vector<16xi32>
      %add3A_216 = arith.addi %get3A_214, %add3A_215 : vector<16xi32>
      %swap3A_217 = arith.index_cast %scan3A_150 : i32 to index
      %swap3A_218 = arith.constant 64 : index
      %swap3A_219 = tpu.vector_load %arg5[%swap3A_217, %swap3A_218] {strides = array<i32>} : memref<104x128xi32, #tpu.memory_space<vmem>>, vector<1x16xi32>,
      %swap3A_220 = vector.shape_cast %swap3A_219 : vector<1x16xi32> to vector<16xi32>
      %swap3A_221 = vector.shape_cast %add3A_216 : vector<16xi32> to vector<1x16xi32>
      tpu.vector_store %arg5[%swap3A_217, %swap3A_218], %swap3A_221 {strides = array<i32>} : memref<104x128xi32, #tpu.memory_space<vmem>>, vector<1x16xi32>,
      %get3A_222 = arith.index_cast %scan3A_150 : i32 to index
      %get3A_223 = arith.constant 80 : index
      %get3A_224 = tpu.vector_load %arg5[%get3A_222, %get3A_223] {strides = array<i32>} : memref<104x128xi32, #tpu.memory_space<vmem>>, vector<1x16xi32>,
      %get3A_225 = vector.shape_cast %get3A_224 : vector<1x16xi32> to vector<16xi32>
      %add3A_226 = vector.broadcast %mul3A_168 : i32 to vector<16xi32>
      %add3A_227 = arith.addi %get3A_225, %add3A_226 : vector<16xi32>
      %swap3A_228 = arith.index_cast %scan3A_150 : i32 to index
      %swap3A_229 = arith.constant 80 : index
      %swap3A_230 = tpu.vector_load %arg5[%swap3A_228, %swap3A_229] {strides = array<i32>} : memref<104x128xi32, #tpu.memory_space<vmem>>, vector<1x16xi32>,
      %swap3A_231 = vector.shape_cast %swap3A_230 : vector<1x16xi32> to vector<16xi32>
      %swap3A_232 = vector.shape_cast %add3A_227 : vector<16xi32> to vector<1x16xi32>
      tpu.vector_store %arg5[%swap3A_228, %swap3A_229], %swap3A_232 {strides = array<i32>} : memref<104x128xi32, #tpu.memory_space<vmem>>, vector<1x16xi32>,
      %get3A_233 = arith.index_cast %scan3A_150 : i32 to index
      %get3A_234 = arith.constant 96 : index
      %get3A_235 = tpu.vector_load %arg5[%get3A_233, %get3A_234] {strides = array<i32>} : memref<104x128xi32, #tpu.memory_space<vmem>>, vector<1x16xi32>,
      %get3A_236 = vector.shape_cast %get3A_235 : vector<1x16xi32> to vector<16xi32>
      %add3A_237 = vector.broadcast %mul3A_168 : i32 to vector<16xi32>
      %add3A_238 = arith.addi %get3A_236, %add3A_237 : vector<16xi32>
      %swap3A_239 = arith.index_cast %scan3A_150 : i32 to index
      %swap3A_240 = arith.constant 96 : index
      %swap3A_241 = tpu.vector_load %arg5[%swap3A_239, %swap3A_240] {strides = array<i32>} : memref<104x128xi32, #tpu.memory_space<vmem>>, vector<1x16xi32>,
      %swap3A_242 = vector.shape_cast %swap3A_241 : vector<1x16xi32> to vector<16xi32>
      %swap3A_243 = vector.shape_cast %add3A_238 : vector<16xi32> to vector<1x16xi32>
      tpu.vector_store %arg5[%swap3A_239, %swap3A_240], %swap3A_243 {strides = array<i32>} : memref<104x128xi32, #tpu.memory_space<vmem>>, vector<1x16xi32>,
      %get3A_244 = arith.index_cast %scan3A_150 : i32 to index
      %get3A_245 = arith.constant 112 : index
      %get3A_246 = tpu.vector_load %arg5[%get3A_244, %get3A_245] {strides = array<i32>} : memref<104x128xi32, #tpu.memory_space<vmem>>, vector<1x16xi32>,
      %get3A_247 = vector.shape_cast %get3A_246 : vector<1x16xi32> to vector<16xi32>
      %add3A_248 = vector.broadcast %mul3A_168 : i32 to vector<16xi32>
      %add3A_249 = arith.addi %get3A_247, %add3A_248 : vector<16xi32>
      %swap3A_250 = arith.index_cast %scan3A_150 : i32 to index
      %swap3A_251 = arith.constant 112 : index
      %swap3A_252 = tpu.vector_load %arg5[%swap3A_250, %swap3A_251] {strides = array<i32>} : memref<104x128xi32, #tpu.memory_space<vmem>>, vector<1x16xi32>,
      %swap3A_253 = vector.shape_cast %swap3A_252 : vector<1x16xi32> to vector<16xi32>
      %swap3A_254 = vector.shape_cast %add3A_249 : vector<16xi32> to vector<1x16xi32>
      tpu.vector_store %arg5[%swap3A_250, %swap3A_251], %swap3A_254 {strides = array<i32>} : memref<104x128xi32, #tpu.memory_space<vmem>>, vector<1x16xi32>,
    }
    %scan3A_7 = arith.constant 104 : i32
    %dma_start3A = arith.constant 0 : i32
    %dma_start3A_8 = arith.constant 0 : i32
    %dma_start3A_9 = arith.constant 0 : i32
    %dma_start3A_10 = tpu.memref_slice %arg6[%dma_start3A_8, %dma_start3A_9] : memref<512x128xf32, #tpu.memory_space<vmem>> -> memref<128x128xf32, #tpu.memory_space<vmem>>
    %dma_start3A_11 = arith.constant 0 : i32
    %dma_start3A_12 = tpu.memref_slice %arg5[%dma_start3A, %dma_start3A_11] : memref<104x128xi32, #tpu.memory_space<vmem>> -> memref<1x128xi32, #tpu.memory_space<vmem>>
    %dma_start3A_13 = tpu.memref_squeeze %dma_start3A_12 : memref<1x128xi32, #tpu.memory_space<vmem>> -> memref<128xi32, #tpu.memory_space<vmem>>
    %dma_start3A_14 = arith.constant 0 : i32
    %dma_start3A_15 = arith.constant 0 : i32
    %dma_start3A_16 = tpu.memref_slice %arg3[%dma_start3A_14, %dma_start3A_15] : memref<26000x128xf32, #tpu.memory_space<hbm>> -> memref<26000x128xf32, #tpu.memory_space<hbm>>
    tpu.enqueue_indirect_dma source(%dma_start3A_16 : memref<26000x128xf32, #tpu.memory_space<hbm>>) target(%dma_start3A_10 : memref<128x128xf32, #tpu.memory_space<vmem>>) offsets(%dma_start3A_13 : memref<128xi32, #tpu.memory_space<vmem>>) semaphore(%arg7 : memref<!tpu.dma_semaphore, #tpu.memory_space<semaphore_mem>>)
    %dma_start3A_17 = arith.constant 1 : i32
    %dma_start3A_18 = arith.constant 128 : i32
    %dma_start3A_19 = arith.constant 0 : i32
    %dma_start3A_20 = tpu.memref_slice %arg6[%dma_start3A_18, %dma_start3A_19] : memref<512x128xf32, #tpu.memory_space<vmem>> -> memref<128x128xf32, #tpu.memory_space<vmem>>
    %dma_start3A_21 = arith.constant 0 : i32
    %dma_start3A_22 = tpu.memref_slice %arg5[%dma_start3A_17, %dma_start3A_21] : memref<104x128xi32, #tpu.memory_space<vmem>> -> memref<1x128xi32, #tpu.memory_space<vmem>>
    %dma_start3A_23 = tpu.memref_squeeze %dma_start3A_22 : memref<1x128xi32, #tpu.memory_space<vmem>> -> memref<128xi32, #tpu.memory_space<vmem>>
    %dma_start3A_24 = arith.constant 0 : i32
    %dma_start3A_25 = arith.constant 0 : i32
    %dma_start3A_26 = tpu.memref_slice %arg3[%dma_start3A_24, %dma_start3A_25] : memref<26000x128xf32, #tpu.memory_space<hbm>> -> memref<26000x128xf32, #tpu.memory_space<hbm>>
    tpu.enqueue_indirect_dma source(%dma_start3A_26 : memref<26000x128xf32, #tpu.memory_space<hbm>>) target(%dma_start3A_20 : memref<128x128xf32, #tpu.memory_space<vmem>>) offsets(%dma_start3A_23 : memref<128xi32, #tpu.memory_space<vmem>>) semaphore(%arg8 : memref<!tpu.dma_semaphore, #tpu.memory_space<semaphore_mem>>)
    %dma_start3A_27 = arith.constant 2 : i32
    %dma_start3A_28 = arith.constant 256 : i32
    %dma_start3A_29 = arith.constant 0 : i32
    %dma_start3A_30 = tpu.memref_slice %arg6[%dma_start3A_28, %dma_start3A_29] : memref<512x128xf32, #tpu.memory_space<vmem>> -> memref<128x128xf32, #tpu.memory_space<vmem>>
    %dma_start3A_31 = arith.constant 0 : i32
    %dma_start3A_32 = tpu.memref_slice %arg5[%dma_start3A_27, %dma_start3A_31] : memref<104x128xi32, #tpu.memory_space<vmem>> -> memref<1x128xi32, #tpu.memory_space<vmem>>
    %dma_start3A_33 = tpu.memref_squeeze %dma_start3A_32 : memref<1x128xi32, #tpu.memory_space<vmem>> -> memref<128xi32, #tpu.memory_space<vmem>>
    %dma_start3A_34 = arith.constant 0 : i32
    %dma_start3A_35 = arith.constant 0 : i32
    %dma_start3A_36 = tpu.memref_slice %arg3[%dma_start3A_34, %dma_start3A_35] : memref<26000x128xf32, #tpu.memory_space<hbm>> -> memref<26000x128xf32, #tpu.memory_space<hbm>>
    tpu.enqueue_indirect_dma source(%dma_start3A_36 : memref<26000x128xf32, #tpu.memory_space<hbm>>) target(%dma_start3A_30 : memref<128x128xf32, #tpu.memory_space<vmem>>) offsets(%dma_start3A_33 : memref<128xi32, #tpu.memory_space<vmem>>) semaphore(%arg9 : memref<!tpu.dma_semaphore, #tpu.memory_space<semaphore_mem>>)
    %dma_start3A_37 = arith.constant 3 : i32
    %dma_start3A_38 = arith.constant 384 : i32
    %dma_start3A_39 = arith.constant 0 : i32
    %dma_start3A_40 = tpu.memref_slice %arg6[%dma_start3A_38, %dma_start3A_39] : memref<512x128xf32, #tpu.memory_space<vmem>> -> memref<128x128xf32, #tpu.memory_space<vmem>>
    %dma_start3A_41 = arith.constant 0 : i32
    %dma_start3A_42 = tpu.memref_slice %arg5[%dma_start3A_37, %dma_start3A_41] : memref<104x128xi32, #tpu.memory_space<vmem>> -> memref<1x128xi32, #tpu.memory_space<vmem>>
    %dma_start3A_43 = tpu.memref_squeeze %dma_start3A_42 : memref<1x128xi32, #tpu.memory_space<vmem>> -> memref<128xi32, #tpu.memory_space<vmem>>
    %dma_start3A_44 = arith.constant 0 : i32
    %dma_start3A_45 = arith.constant 0 : i32
    %dma_start3A_46 = tpu.memref_slice %arg3[%dma_start3A_44, %dma_start3A_45] : memref<26000x128xf32, #tpu.memory_space<hbm>> -> memref<26000x128xf32, #tpu.memory_space<hbm>>
    tpu.enqueue_indirect_dma source(%dma_start3A_46 : memref<26000x128xf32, #tpu.memory_space<hbm>>) target(%dma_start3A_40 : memref<128x128xf32, #tpu.memory_space<vmem>>) offsets(%dma_start3A_43 : memref<128xi32, #tpu.memory_space<vmem>>) semaphore(%arg10 : memref<!tpu.dma_semaphore, #tpu.memory_space<semaphore_mem>>)
    %dma_wait3A = arith.constant 0 : i32
    %dma_wait3A_47 = arith.constant 0 : i32
    %dma_wait3A_48 = tpu.memref_slice %arg6[%dma_wait3A, %dma_wait3A_47] : memref<512x128xf32, #tpu.memory_space<vmem>> -> memref<128x128xf32, #tpu.memory_space<vmem>>
    %dma_wait3A_49 = arith.constant 0 : i32
    %dma_wait3A_50 = arith.constant 0 : i32
    %dma_wait3A_51 = tpu.memref_slice %arg3[%dma_wait3A_49, %dma_wait3A_50] : memref<26000x128xf32, #tpu.memory_space<hbm>> -> memref<128x128xf32, #tpu.memory_space<hbm>>
    %dma_wait3A_52 = arith.constant 0 : i32
    %dma_wait3A_53 = arith.constant 0 : i32
    %dma_wait3A_54 = tpu.memref_slice %arg6[%dma_wait3A_52, %dma_wait3A_53] : memref<512x128xf32, #tpu.memory_space<vmem>> -> memref<128x128xf32, #tpu.memory_space<vmem>>
    %dma_wait3A_55 = arith.constant 0 : i32
    %dma_wait3A_56 = arith.constant 0 : i32
    %dma_wait3A_57 = tpu.memref_slice %arg3[%dma_wait3A_55, %dma_wait3A_56] : memref<26000x128xf32, #tpu.memory_space<hbm>> -> memref<128x128xf32, #tpu.memory_space<hbm>>
    tpu.wait_dma2 semaphore(%arg7 : memref<!tpu.dma_semaphore, #tpu.memory_space<semaphore_mem>>) src(%dma_wait3A_57 : memref<128x128xf32, #tpu.memory_space<hbm>>) dst(%dma_wait3A_54 : memref<128x128xf32, #tpu.memory_space<vmem>>)
    %scan3A_58 = arith.constant 0 : i32
    %scan3A_59 = arith.constant 1 : i32
    %scan3A_60 = arith.constant 25 : i32
    %scan3A_61 = arith.addi %scan3A_59, %scan3A_60 : i32
    %scan3A_62 = arith.constant 1 : i32
    scf.for %scan3A_150 = %scan3A_59 to %scan3A_61 step %scan3A_62  : i32 {
      %mul3A_151 = arith.constant 4 : i32
      %mul3A_152 = arith.muli %scan3A_150, %mul3A_151 : i32
      %add3A_153 = arith.constant 0 : i32
      %add3A_154 = arith.addi %mul3A_152, %add3A_153 : i32
      %dma_start3A_155 = arith.constant 0 : i32
      %dma_start3A_156 = arith.constant 0 : i32
      %dma_start3A_157 = tpu.memref_slice %arg6[%dma_start3A_155, %dma_start3A_156] : memref<512x128xf32, #tpu.memory_space<vmem>> -> memref<128x128xf32, #tpu.memory_space<vmem>>
      %dma_start3A_158 = arith.constant 0 : i32
      %dma_start3A_159 = tpu.memref_slice %arg5[%add3A_154, %dma_start3A_158] : memref<104x128xi32, #tpu.memory_space<vmem>> -> memref<1x128xi32, #tpu.memory_space<vmem>>
      %dma_start3A_160 = tpu.memref_squeeze %dma_start3A_159 : memref<1x128xi32, #tpu.memory_space<vmem>> -> memref<128xi32, #tpu.memory_space<vmem>>
      %dma_start3A_161 = arith.constant 0 : i32
      %dma_start3A_162 = arith.constant 0 : i32
      %dma_start3A_163 = tpu.memref_slice %arg3[%dma_start3A_161, %dma_start3A_162] : memref<26000x128xf32, #tpu.memory_space<hbm>> -> memref<26000x128xf32, #tpu.memory_space<hbm>>
      tpu.enqueue_indirect_dma source(%dma_start3A_163 : memref<26000x128xf32, #tpu.memory_space<hbm>>) target(%dma_start3A_157 : memref<128x128xf32, #tpu.memory_space<vmem>>) offsets(%dma_start3A_160 : memref<128xi32, #tpu.memory_space<vmem>>) semaphore(%arg7 : memref<!tpu.dma_semaphore, #tpu.memory_space<semaphore_mem>>) {add = true}
    }
    %scan3A_63 = arith.constant 25 : i32
    %dma_wait3A_64 = arith.constant 128 : i32
    %dma_wait3A_65 = arith.constant 0 : i32
    %dma_wait3A_66 = tpu.memref_slice %arg6[%dma_wait3A_64, %dma_wait3A_65] : memref<512x128xf32, #tpu.memory_space<vmem>> -> memref<128x128xf32, #tpu.memory_space<vmem>>
    %dma_wait3A_67 = arith.constant 0 : i32
    %dma_wait3A_68 = arith.constant 0 : i32
    %dma_wait3A_69 = tpu.memref_slice %arg3[%dma_wait3A_67, %dma_wait3A_68] : memref<26000x128xf32, #tpu.memory_space<hbm>> -> memref<128x128xf32, #tpu.memory_space<hbm>>
    %dma_wait3A_70 = arith.constant 128 : i32
    %dma_wait3A_71 = arith.constant 0 : i32
    %dma_wait3A_72 = tpu.memref_slice %arg6[%dma_wait3A_70, %dma_wait3A_71] : memref<512x128xf32, #tpu.memory_space<vmem>> -> memref<128x128xf32, #tpu.memory_space<vmem>>
    %dma_wait3A_73 = arith.constant 0 : i32
    %dma_wait3A_74 = arith.constant 0 : i32
    %dma_wait3A_75 = tpu.memref_slice %arg3[%dma_wait3A_73, %dma_wait3A_74] : memref<26000x128xf32, #tpu.memory_space<hbm>> -> memref<128x128xf32, #tpu.memory_space<hbm>>
    tpu.wait_dma2 semaphore(%arg8 : memref<!tpu.dma_semaphore, #tpu.memory_space<semaphore_mem>>) src(%dma_wait3A_75 : memref<128x128xf32, #tpu.memory_space<hbm>>) dst(%dma_wait3A_72 : memref<128x128xf32, #tpu.memory_space<vmem>>)
    %scan3A_76 = arith.constant 0 : i32
    %scan3A_77 = arith.constant 1 : i32
    %scan3A_78 = arith.constant 25 : i32
    %scan3A_79 = arith.addi %scan3A_77, %scan3A_78 : i32
    %scan3A_80 = arith.constant 1 : i32
    scf.for %scan3A_150 = %scan3A_77 to %scan3A_79 step %scan3A_80  : i32 {
      %mul3A_151 = arith.constant 4 : i32
      %mul3A_152 = arith.muli %scan3A_150, %mul3A_151 : i32
      %add3A_153 = arith.constant 1 : i32
      %add3A_154 = arith.addi %mul3A_152, %add3A_153 : i32
      %dma_start3A_155 = arith.constant 128 : i32
      %dma_start3A_156 = arith.constant 0 : i32
      %dma_start3A_157 = tpu.memref_slice %arg6[%dma_start3A_155, %dma_start3A_156] : memref<512x128xf32, #tpu.memory_space<vmem>> -> memref<128x128xf32, #tpu.memory_space<vmem>>
      %dma_start3A_158 = arith.constant 0 : i32
      %dma_start3A_159 = tpu.memref_slice %arg5[%add3A_154, %dma_start3A_158] : memref<104x128xi32, #tpu.memory_space<vmem>> -> memref<1x128xi32, #tpu.memory_space<vmem>>
      %dma_start3A_160 = tpu.memref_squeeze %dma_start3A_159 : memref<1x128xi32, #tpu.memory_space<vmem>> -> memref<128xi32, #tpu.memory_space<vmem>>
      %dma_start3A_161 = arith.constant 0 : i32
      %dma_start3A_162 = arith.constant 0 : i32
      %dma_start3A_163 = tpu.memref_slice %arg3[%dma_start3A_161, %dma_start3A_162] : memref<26000x128xf32, #tpu.memory_space<hbm>> -> memref<26000x128xf32, #tpu.memory_space<hbm>>
      tpu.enqueue_indirect_dma source(%dma_start3A_163 : memref<26000x128xf32, #tpu.memory_space<hbm>>) target(%dma_start3A_157 : memref<128x128xf32, #tpu.memory_space<vmem>>) offsets(%dma_start3A_160 : memref<128xi32, #tpu.memory_space<vmem>>) semaphore(%arg8 : memref<!tpu.dma_semaphore, #tpu.memory_space<semaphore_mem>>) {add = true}
    }
    %scan3A_81 = arith.constant 25 : i32
    %dma_wait3A_82 = arith.constant 256 : i32
    %dma_wait3A_83 = arith.constant 0 : i32
    %dma_wait3A_84 = tpu.memref_slice %arg6[%dma_wait3A_82, %dma_wait3A_83] : memref<512x128xf32, #tpu.memory_space<vmem>> -> memref<128x128xf32, #tpu.memory_space<vmem>>
    %dma_wait3A_85 = arith.constant 0 : i32
    %dma_wait3A_86 = arith.constant 0 : i32
    %dma_wait3A_87 = tpu.memref_slice %arg3[%dma_wait3A_85, %dma_wait3A_86] : memref<26000x128xf32, #tpu.memory_space<hbm>> -> memref<128x128xf32, #tpu.memory_space<hbm>>
    %dma_wait3A_88 = arith.constant 256 : i32
    %dma_wait3A_89 = arith.constant 0 : i32
    %dma_wait3A_90 = tpu.memref_slice %arg6[%dma_wait3A_88, %dma_wait3A_89] : memref<512x128xf32, #tpu.memory_space<vmem>> -> memref<128x128xf32, #tpu.memory_space<vmem>>
    %dma_wait3A_91 = arith.constant 0 : i32
    %dma_wait3A_92 = arith.constant 0 : i32
    %dma_wait3A_93 = tpu.memref_slice %arg3[%dma_wait3A_91, %dma_wait3A_92] : memref<26000x128xf32, #tpu.memory_space<hbm>> -> memref<128x128xf32, #tpu.memory_space<hbm>>
    tpu.wait_dma2 semaphore(%arg9 : memref<!tpu.dma_semaphore, #tpu.memory_space<semaphore_mem>>) src(%dma_wait3A_93 : memref<128x128xf32, #tpu.memory_space<hbm>>) dst(%dma_wait3A_90 : memref<128x128xf32, #tpu.memory_space<vmem>>)
    %scan3A_94 = arith.constant 0 : i32
    %scan3A_95 = arith.constant 1 : i32
    %scan3A_96 = arith.constant 25 : i32
    %scan3A_97 = arith.addi %scan3A_95, %scan3A_96 : i32
    %scan3A_98 = arith.constant 1 : i32
    scf.for %scan3A_150 = %scan3A_95 to %scan3A_97 step %scan3A_98  : i32 {
      %mul3A_151 = arith.constant 4 : i32
      %mul3A_152 = arith.muli %scan3A_150, %mul3A_151 : i32
      %add3A_153 = arith.constant 2 : i32
      %add3A_154 = arith.addi %mul3A_152, %add3A_153 : i32
      %dma_start3A_155 = arith.constant 256 : i32
      %dma_start3A_156 = arith.constant 0 : i32
      %dma_start3A_157 = tpu.memref_slice %arg6[%dma_start3A_155, %dma_start3A_156] : memref<512x128xf32, #tpu.memory_space<vmem>> -> memref<128x128xf32, #tpu.memory_space<vmem>>
      %dma_start3A_158 = arith.constant 0 : i32
      %dma_start3A_159 = tpu.memref_slice %arg5[%add3A_154, %dma_start3A_158] : memref<104x128xi32, #tpu.memory_space<vmem>> -> memref<1x128xi32, #tpu.memory_space<vmem>>
      %dma_start3A_160 = tpu.memref_squeeze %dma_start3A_159 : memref<1x128xi32, #tpu.memory_space<vmem>> -> memref<128xi32, #tpu.memory_space<vmem>>
      %dma_start3A_161 = arith.constant 0 : i32
      %dma_start3A_162 = arith.constant 0 : i32
      %dma_start3A_163 = tpu.memref_slice %arg3[%dma_start3A_161, %dma_start3A_162] : memref<26000x128xf32, #tpu.memory_space<hbm>> -> memref<26000x128xf32, #tpu.memory_space<hbm>>
      tpu.enqueue_indirect_dma source(%dma_start3A_163 : memref<26000x128xf32, #tpu.memory_space<hbm>>) target(%dma_start3A_157 : memref<128x128xf32, #tpu.memory_space<vmem>>) offsets(%dma_start3A_160 : memref<128xi32, #tpu.memory_space<vmem>>) semaphore(%arg9 : memref<!tpu.dma_semaphore, #tpu.memory_space<semaphore_mem>>) {add = true}
    }
    %scan3A_99 = arith.constant 25 : i32
    %dma_wait3A_100 = arith.constant 384 : i32
    %dma_wait3A_101 = arith.constant 0 : i32
    %dma_wait3A_102 = tpu.memref_slice %arg6[%dma_wait3A_100, %dma_wait3A_101] : memref<512x128xf32, #tpu.memory_space<vmem>> -> memref<128x128xf32, #tpu.memory_space<vmem>>
    %dma_wait3A_103 = arith.constant 0 : i32
    %dma_wait3A_104 = arith.constant 0 : i32
    %dma_wait3A_105 = tpu.memref_slice %arg3[%dma_wait3A_103, %dma_wait3A_104] : memref<26000x128xf32, #tpu.memory_space<hbm>> -> memref<128x128xf32, #tpu.memory_space<hbm>>
    %dma_wait3A_106 = arith.constant 384 : i32
    %dma_wait3A_107 = arith.constant 0 : i32
    %dma_wait3A_108 = tpu.memref_slice %arg6[%dma_wait3A_106, %dma_wait3A_107] : memref<512x128xf32, #tpu.memory_space<vmem>> -> memref<128x128xf32, #tpu.memory_space<vmem>>
    %dma_wait3A_109 = arith.constant 0 : i32
    %dma_wait3A_110 = arith.constant 0 : i32
    %dma_wait3A_111 = tpu.memref_slice %arg3[%dma_wait3A_109, %dma_wait3A_110] : memref<26000x128xf32, #tpu.memory_space<hbm>> -> memref<128x128xf32, #tpu.memory_space<hbm>>
    tpu.wait_dma2 semaphore(%arg10 : memref<!tpu.dma_semaphore, #tpu.memory_space<semaphore_mem>>) src(%dma_wait3A_111 : memref<128x128xf32, #tpu.memory_space<hbm>>) dst(%dma_wait3A_108 : memref<128x128xf32, #tpu.memory_space<vmem>>)
    %scan3A_112 = arith.constant 0 : i32
    %scan3A_113 = arith.constant 1 : i32
    %scan3A_114 = arith.constant 25 : i32
    %scan3A_115 = arith.addi %scan3A_113, %scan3A_114 : i32
    %scan3A_116 = arith.constant 1 : i32
    scf.for %scan3A_150 = %scan3A_113 to %scan3A_115 step %scan3A_116  : i32 {
      %mul3A_151 = arith.constant 4 : i32
      %mul3A_152 = arith.muli %scan3A_150, %mul3A_151 : i32
      %add3A_153 = arith.constant 3 : i32
      %add3A_154 = arith.addi %mul3A_152, %add3A_153 : i32
      %dma_start3A_155 = arith.constant 384 : i32
      %dma_start3A_156 = arith.constant 0 : i32
      %dma_start3A_157 = tpu.memref_slice %arg6[%dma_start3A_155, %dma_start3A_156] : memref<512x128xf32, #tpu.memory_space<vmem>> -> memref<128x128xf32, #tpu.memory_space<vmem>>
      %dma_start3A_158 = arith.constant 0 : i32
      %dma_start3A_159 = tpu.memref_slice %arg5[%add3A_154, %dma_start3A_158] : memref<104x128xi32, #tpu.memory_space<vmem>> -> memref<1x128xi32, #tpu.memory_space<vmem>>
      %dma_start3A_160 = tpu.memref_squeeze %dma_start3A_159 : memref<1x128xi32, #tpu.memory_space<vmem>> -> memref<128xi32, #tpu.memory_space<vmem>>
      %dma_start3A_161 = arith.constant 0 : i32
      %dma_start3A_162 = arith.constant 0 : i32
      %dma_start3A_163 = tpu.memref_slice %arg3[%dma_start3A_161, %dma_start3A_162] : memref<26000x128xf32, #tpu.memory_space<hbm>> -> memref<26000x128xf32, #tpu.memory_space<hbm>>
      tpu.enqueue_indirect_dma source(%dma_start3A_163 : memref<26000x128xf32, #tpu.memory_space<hbm>>) target(%dma_start3A_157 : memref<128x128xf32, #tpu.memory_space<vmem>>) offsets(%dma_start3A_160 : memref<128xi32, #tpu.memory_space<vmem>>) semaphore(%arg10 : memref<!tpu.dma_semaphore, #tpu.memory_space<semaphore_mem>>) {add = true}
    }
    %scan3A_117 = arith.constant 25 : i32
    %scan3A_118 = arith.constant 0 : i32
    %scan3A_119 = arith.constant 1 : i32
    %scan3A_120 = arith.constant 25 : i32
    %scan3A_121 = arith.addi %scan3A_119, %scan3A_120 : i32
    %scan3A_122 = arith.constant 1 : i32
    scf.for %scan3A_150 = %scan3A_119 to %scan3A_121 step %scan3A_122  : i32 {
      %dma_wait3A_151 = arith.constant 0 : i32
      %dma_wait3A_152 = arith.constant 0 : i32
      %dma_wait3A_153 = tpu.memref_slice %arg6[%dma_wait3A_151, %dma_wait3A_152] : memref<512x128xf32, #tpu.memory_space<vmem>> -> memref<128x128xf32, #tpu.memory_space<vmem>>
      %dma_wait3A_154 = arith.constant 0 : i32
      %dma_wait3A_155 = arith.constant 0 : i32
      %dma_wait3A_156 = tpu.memref_slice %arg3[%dma_wait3A_154, %dma_wait3A_155] : memref<26000x128xf32, #tpu.memory_space<hbm>> -> memref<128x128xf32, #tpu.memory_space<hbm>>
      %dma_wait3A_157 = arith.constant 0 : i32
      %dma_wait3A_158 = arith.constant 0 : i32
      %dma_wait3A_159 = tpu.memref_slice %arg6[%dma_wait3A_157, %dma_wait3A_158] : memref<512x128xf32, #tpu.memory_space<vmem>> -> memref<128x128xf32, #tpu.memory_space<vmem>>
      %dma_wait3A_160 = arith.constant 0 : i32
      %dma_wait3A_161 = arith.constant 0 : i32
      %dma_wait3A_162 = tpu.memref_slice %arg3[%dma_wait3A_160, %dma_wait3A_161] : memref<26000x128xf32, #tpu.memory_space<hbm>> -> memref<128x128xf32, #tpu.memory_space<hbm>>
      tpu.wait_dma2 semaphore(%arg7 : memref<!tpu.dma_semaphore, #tpu.memory_space<semaphore_mem>>) src(%dma_wait3A_162 : memref<128x128xf32, #tpu.memory_space<hbm>>) dst(%dma_wait3A_159 : memref<128x128xf32, #tpu.memory_space<vmem>>)
    }
    %scan3A_123 = arith.constant 25 : i32
    %add3A_124 = arith.constant 0 : i32
    %add3A_125 = arith.addi %mul3A_2, %add3A_124 : i32
    "tpu.region"() ({
      %run_scoped3A = tpu.sem_alloc : memref<!tpu.dma_semaphore, #tpu.memory_space<semaphore_mem>>
      %dma_start3A_150 = arith.constant 0 : i32
      %dma_start3A_151 = arith.constant 0 : i32
      %dma_start3A_152 = tpu.memref_slice %arg6[%dma_start3A_150, %dma_start3A_151] : memref<512x128xf32, #tpu.memory_space<vmem>> -> memref<128x128xf32, #tpu.memory_space<vmem>>
      %dma_start3A_153 = arith.constant 0 : i32
      %dma_start3A_154 = tpu.memref_slice %arg4[%add3A_125, %dma_start3A_153] : memref<16384x128xf32, #tpu.memory_space<hbm>> -> memref<128x128xf32, #tpu.memory_space<hbm>>
      %dma_start3A_155 = arith.constant 0 : i32
      %dma_start3A_156 = tpu.memref_slice %arg4[%add3A_125, %dma_start3A_155] : memref<16384x128xf32, #tpu.memory_space<hbm>> -> memref<128x128xf32, #tpu.memory_space<hbm>>
      %dma_start3A_157 = arith.constant 0 : i32
      %dma_start3A_158 = arith.constant 0 : i32
      %dma_start3A_159 = tpu.memref_slice %arg6[%dma_start3A_157, %dma_start3A_158] : memref<512x128xf32, #tpu.memory_space<vmem>> -> memref<128x128xf32, #tpu.memory_space<vmem>>
      tpu.enqueue_dma source(%dma_start3A_159 : memref<128x128xf32, #tpu.memory_space<vmem>>) target(%dma_start3A_156 : memref<128x128xf32, #tpu.memory_space<hbm>>) target_semaphore(%run_scoped3A : memref<!tpu.dma_semaphore, #tpu.memory_space<semaphore_mem>>)
      %dma_wait3A_160 = arith.constant 0 : i32
      %dma_wait3A_161 = arith.constant 0 : i32
      %dma_wait3A_162 = tpu.memref_slice %arg6[%dma_wait3A_160, %dma_wait3A_161] : memref<512x128xf32, #tpu.memory_space<vmem>> -> memref<128x128xf32, #tpu.memory_space<vmem>>
      %dma_wait3A_163 = arith.constant 0 : i32
      %dma_wait3A_164 = tpu.memref_slice %arg4[%add3A_125, %dma_wait3A_163] : memref<16384x128xf32, #tpu.memory_space<hbm>> -> memref<128x128xf32, #tpu.memory_space<hbm>>
      %dma_wait3A_165 = arith.constant 0 : i32
      %dma_wait3A_166 = tpu.memref_slice %arg4[%add3A_125, %dma_wait3A_165] : memref<16384x128xf32, #tpu.memory_space<hbm>> -> memref<128x128xf32, #tpu.memory_space<hbm>>
      %dma_wait3A_167 = arith.constant 0 : i32
      %dma_wait3A_168 = arith.constant 0 : i32
      %dma_wait3A_169 = tpu.memref_slice %arg6[%dma_wait3A_167, %dma_wait3A_168] : memref<512x128xf32, #tpu.memory_space<vmem>> -> memref<128x128xf32, #tpu.memory_space<vmem>>
      tpu.wait_dma2 semaphore(%run_scoped3A : memref<!tpu.dma_semaphore, #tpu.memory_space<semaphore_mem>>) src(%dma_wait3A_169 : memref<128x128xf32, #tpu.memory_space<vmem>>) dst(%dma_wait3A_166 : memref<128x128xf32, #tpu.memory_space<hbm>>)
      tpu.yield
    }) : () -> ()
    %scan3A_126 = arith.constant 0 : i32
    %scan3A_127 = arith.constant 1 : i32
    %scan3A_128 = arith.constant 25 : i32
    %scan3A_129 = arith.addi %scan3A_127, %scan3A_128 : i32
    %scan3A_130 = arith.constant 1 : i32
    scf.for %scan3A_150 = %scan3A_127 to %scan3A_129 step %scan3A_130  : i32 {
      %dma_wait3A_151 = arith.constant 128 : i32
      %dma_wait3A_152 = arith.constant 0 : i32
      %dma_wait3A_153 = tpu.memref_slice %arg6[%dma_wait3A_151, %dma_wait3A_152] : memref<512x128xf32, #tpu.memory_space<vmem>> -> memref<128x128xf32, #tpu.memory_space<vmem>>
      %dma_wait3A_154 = arith.constant 0 : i32
      %dma_wait3A_155 = arith.constant 0 : i32
      %dma_wait3A_156 = tpu.memref_slice %arg3[%dma_wait3A_154, %dma_wait3A_155] : memref<26000x128xf32, #tpu.memory_space<hbm>> -> memref<128x128xf32, #tpu.memory_space<hbm>>
      %dma_wait3A_157 = arith.constant 128 : i32
      %dma_wait3A_158 = arith.constant 0 : i32
      %dma_wait3A_159 = tpu.memref_slice %arg6[%dma_wait3A_157, %dma_wait3A_158] : memref<512x128xf32, #tpu.memory_space<vmem>> -> memref<128x128xf32, #tpu.memory_space<vmem>>
      %dma_wait3A_160 = arith.constant 0 : i32
      %dma_wait3A_161 = arith.constant 0 : i32
      %dma_wait3A_162 = tpu.memref_slice %arg3[%dma_wait3A_160, %dma_wait3A_161] : memref<26000x128xf32, #tpu.memory_space<hbm>> -> memref<128x128xf32, #tpu.memory_space<hbm>>
      tpu.wait_dma2 semaphore(%arg8 : memref<!tpu.dma_semaphore, #tpu.memory_space<semaphore_mem>>) src(%dma_wait3A_162 : memref<128x128xf32, #tpu.memory_space<hbm>>) dst(%dma_wait3A_159 : memref<128x128xf32, #tpu.memory_space<vmem>>)
    }
    %scan3A_131 = arith.constant 25 : i32
    %add3A_132 = arith.constant 128 : i32
    %add3A_133 = arith.addi %mul3A_2, %add3A_132 : i32
    "tpu.region"() ({
      %run_scoped3A = tpu.sem_alloc : memref<!tpu.dma_semaphore, #tpu.memory_space<semaphore_mem>>
      %dma_start3A_150 = arith.constant 128 : i32
      %dma_start3A_151 = arith.constant 0 : i32
      %dma_start3A_152 = tpu.memref_slice %arg6[%dma_start3A_150, %dma_start3A_151] : memref<512x128xf32, #tpu.memory_space<vmem>> -> memref<128x128xf32, #tpu.memory_space<vmem>>
      %dma_start3A_153 = arith.constant 0 : i32
      %dma_start3A_154 = tpu.memref_slice %arg4[%add3A_133, %dma_start3A_153] : memref<16384x128xf32, #tpu.memory_space<hbm>> -> memref<128x128xf32, #tpu.memory_space<hbm>>
      %dma_start3A_155 = arith.constant 0 : i32
      %dma_start3A_156 = tpu.memref_slice %arg4[%add3A_133, %dma_start3A_155] : memref<16384x128xf32, #tpu.memory_space<hbm>> -> memref<128x128xf32, #tpu.memory_space<hbm>>
      %dma_start3A_157 = arith.constant 128 : i32
      %dma_start3A_158 = arith.constant 0 : i32
      %dma_start3A_159 = tpu.memref_slice %arg6[%dma_start3A_157, %dma_start3A_158] : memref<512x128xf32, #tpu.memory_space<vmem>> -> memref<128x128xf32, #tpu.memory_space<vmem>>
      tpu.enqueue_dma source(%dma_start3A_159 : memref<128x128xf32, #tpu.memory_space<vmem>>) target(%dma_start3A_156 : memref<128x128xf32, #tpu.memory_space<hbm>>) target_semaphore(%run_scoped3A : memref<!tpu.dma_semaphore, #tpu.memory_space<semaphore_mem>>)
      %dma_wait3A_160 = arith.constant 128 : i32
      %dma_wait3A_161 = arith.constant 0 : i32
      %dma_wait3A_162 = tpu.memref_slice %arg6[%dma_wait3A_160, %dma_wait3A_161] : memref<512x128xf32, #tpu.memory_space<vmem>> -> memref<128x128xf32, #tpu.memory_space<vmem>>
      %dma_wait3A_163 = arith.constant 0 : i32
      %dma_wait3A_164 = tpu.memref_slice %arg4[%add3A_133, %dma_wait3A_163] : memref<16384x128xf32, #tpu.memory_space<hbm>> -> memref<128x128xf32, #tpu.memory_space<hbm>>
      %dma_wait3A_165 = arith.constant 0 : i32
      %dma_wait3A_166 = tpu.memref_slice %arg4[%add3A_133, %dma_wait3A_165] : memref<16384x128xf32, #tpu.memory_space<hbm>> -> memref<128x128xf32, #tpu.memory_space<hbm>>
      %dma_wait3A_167 = arith.constant 128 : i32
      %dma_wait3A_168 = arith.constant 0 : i32
      %dma_wait3A_169 = tpu.memref_slice %arg6[%dma_wait3A_167, %dma_wait3A_168] : memref<512x128xf32, #tpu.memory_space<vmem>> -> memref<128x128xf32, #tpu.memory_space<vmem>>
      tpu.wait_dma2 semaphore(%run_scoped3A : memref<!tpu.dma_semaphore, #tpu.memory_space<semaphore_mem>>) src(%dma_wait3A_169 : memref<128x128xf32, #tpu.memory_space<vmem>>) dst(%dma_wait3A_166 : memref<128x128xf32, #tpu.memory_space<hbm>>)
      tpu.yield
    }) : () -> ()
    %scan3A_134 = arith.constant 0 : i32
    %scan3A_135 = arith.constant 1 : i32
    %scan3A_136 = arith.constant 25 : i32
    %scan3A_137 = arith.addi %scan3A_135, %scan3A_136 : i32
    %scan3A_138 = arith.constant 1 : i32
    scf.for %scan3A_150 = %scan3A_135 to %scan3A_137 step %scan3A_138  : i32 {
      %dma_wait3A_151 = arith.constant 256 : i32
      %dma_wait3A_152 = arith.constant 0 : i32
      %dma_wait3A_153 = tpu.memref_slice %arg6[%dma_wait3A_151, %dma_wait3A_152] : memref<512x128xf32, #tpu.memory_space<vmem>> -> memref<128x128xf32, #tpu.memory_space<vmem>>
      %dma_wait3A_154 = arith.constant 0 : i32
      %dma_wait3A_155 = arith.constant 0 : i32
      %dma_wait3A_156 = tpu.memref_slice %arg3[%dma_wait3A_154, %dma_wait3A_155] : memref<26000x128xf32, #tpu.memory_space<hbm>> -> memref<128x128xf32, #tpu.memory_space<hbm>>
      %dma_wait3A_157 = arith.constant 256 : i32
      %dma_wait3A_158 = arith.constant 0 : i32
      %dma_wait3A_159 = tpu.memref_slice %arg6[%dma_wait3A_157, %dma_wait3A_158] : memref<512x128xf32, #tpu.memory_space<vmem>> -> memref<128x128xf32, #tpu.memory_space<vmem>>
      %dma_wait3A_160 = arith.constant 0 : i32
      %dma_wait3A_161 = arith.constant 0 : i32
      %dma_wait3A_162 = tpu.memref_slice %arg3[%dma_wait3A_160, %dma_wait3A_161] : memref<26000x128xf32, #tpu.memory_space<hbm>> -> memref<128x128xf32, #tpu.memory_space<hbm>>
      tpu.wait_dma2 semaphore(%arg9 : memref<!tpu.dma_semaphore, #tpu.memory_space<semaphore_mem>>) src(%dma_wait3A_162 : memref<128x128xf32, #tpu.memory_space<hbm>>) dst(%dma_wait3A_159 : memref<128x128xf32, #tpu.memory_space<vmem>>)
    }
    %scan3A_139 = arith.constant 25 : i32
    %add3A_140 = arith.constant 256 : i32
    %add3A_141 = arith.addi %mul3A_2, %add3A_140 : i32
    "tpu.region"() ({
      %run_scoped3A = tpu.sem_alloc : memref<!tpu.dma_semaphore, #tpu.memory_space<semaphore_mem>>
      %dma_start3A_150 = arith.constant 256 : i32
      %dma_start3A_151 = arith.constant 0 : i32
      %dma_start3A_152 = tpu.memref_slice %arg6[%dma_start3A_150, %dma_start3A_151] : memref<512x128xf32, #tpu.memory_space<vmem>> -> memref<128x128xf32, #tpu.memory_space<vmem>>
      %dma_start3A_153 = arith.constant 0 : i32
      %dma_start3A_154 = tpu.memref_slice %arg4[%add3A_141, %dma_start3A_153] : memref<16384x128xf32, #tpu.memory_space<hbm>> -> memref<128x128xf32, #tpu.memory_space<hbm>>
      %dma_start3A_155 = arith.constant 0 : i32
      %dma_start3A_156 = tpu.memref_slice %arg4[%add3A_141, %dma_start3A_155] : memref<16384x128xf32, #tpu.memory_space<hbm>> -> memref<128x128xf32, #tpu.memory_space<hbm>>
      %dma_start3A_157 = arith.constant 256 : i32
      %dma_start3A_158 = arith.constant 0 : i32
      %dma_start3A_159 = tpu.memref_slice %arg6[%dma_start3A_157, %dma_start3A_158] : memref<512x128xf32, #tpu.memory_space<vmem>> -> memref<128x128xf32, #tpu.memory_space<vmem>>
      tpu.enqueue_dma source(%dma_start3A_159 : memref<128x128xf32, #tpu.memory_space<vmem>>) target(%dma_start3A_156 : memref<128x128xf32, #tpu.memory_space<hbm>>) target_semaphore(%run_scoped3A : memref<!tpu.dma_semaphore, #tpu.memory_space<semaphore_mem>>)
      %dma_wait3A_160 = arith.constant 256 : i32
      %dma_wait3A_161 = arith.constant 0 : i32
      %dma_wait3A_162 = tpu.memref_slice %arg6[%dma_wait3A_160, %dma_wait3A_161] : memref<512x128xf32, #tpu.memory_space<vmem>> -> memref<128x128xf32, #tpu.memory_space<vmem>>
      %dma_wait3A_163 = arith.constant 0 : i32
      %dma_wait3A_164 = tpu.memref_slice %arg4[%add3A_141, %dma_wait3A_163] : memref<16384x128xf32, #tpu.memory_space<hbm>> -> memref<128x128xf32, #tpu.memory_space<hbm>>
      %dma_wait3A_165 = arith.constant 0 : i32
      %dma_wait3A_166 = tpu.memref_slice %arg4[%add3A_141, %dma_wait3A_165] : memref<16384x128xf32, #tpu.memory_space<hbm>> -> memref<128x128xf32, #tpu.memory_space<hbm>>
      %dma_wait3A_167 = arith.constant 256 : i32
      %dma_wait3A_168 = arith.constant 0 : i32
      %dma_wait3A_169 = tpu.memref_slice %arg6[%dma_wait3A_167, %dma_wait3A_168] : memref<512x128xf32, #tpu.memory_space<vmem>> -> memref<128x128xf32, #tpu.memory_space<vmem>>
      tpu.wait_dma2 semaphore(%run_scoped3A : memref<!tpu.dma_semaphore, #tpu.memory_space<semaphore_mem>>) src(%dma_wait3A_169 : memref<128x128xf32, #tpu.memory_space<vmem>>) dst(%dma_wait3A_166 : memref<128x128xf32, #tpu.memory_space<hbm>>)
      tpu.yield
    }) : () -> ()
    %scan3A_142 = arith.constant 0 : i32
    %scan3A_143 = arith.constant 1 : i32
    %scan3A_144 = arith.constant 25 : i32
    %scan3A_145 = arith.addi %scan3A_143, %scan3A_144 : i32
    %scan3A_146 = arith.constant 1 : i32
    scf.for %scan3A_150 = %scan3A_143 to %scan3A_145 step %scan3A_146  : i32 {
      %dma_wait3A_151 = arith.constant 384 : i32
      %dma_wait3A_152 = arith.constant 0 : i32
      %dma_wait3A_153 = tpu.memref_slice %arg6[%dma_wait3A_151, %dma_wait3A_152] : memref<512x128xf32, #tpu.memory_space<vmem>> -> memref<128x128xf32, #tpu.memory_space<vmem>>
      %dma_wait3A_154 = arith.constant 0 : i32
      %dma_wait3A_155 = arith.constant 0 : i32
      %dma_wait3A_156 = tpu.memref_slice %arg3[%dma_wait3A_154, %dma_wait3A_155] : memref<26000x128xf32, #tpu.memory_space<hbm>> -> memref<128x128xf32, #tpu.memory_space<hbm>>
      %dma_wait3A_157 = arith.constant 384 : i32
      %dma_wait3A_158 = arith.constant 0 : i32
      %dma_wait3A_159 = tpu.memref_slice %arg6[%dma_wait3A_157, %dma_wait3A_158] : memref<512x128xf32, #tpu.memory_space<vmem>> -> memref<128x128xf32, #tpu.memory_space<vmem>>
      %dma_wait3A_160 = arith.constant 0 : i32
      %dma_wait3A_161 = arith.constant 0 : i32
      %dma_wait3A_162 = tpu.memref_slice %arg3[%dma_wait3A_160, %dma_wait3A_161] : memref<26000x128xf32, #tpu.memory_space<hbm>> -> memref<128x128xf32, #tpu.memory_space<hbm>>
      tpu.wait_dma2 semaphore(%arg10 : memref<!tpu.dma_semaphore, #tpu.memory_space<semaphore_mem>>) src(%dma_wait3A_162 : memref<128x128xf32, #tpu.memory_space<hbm>>) dst(%dma_wait3A_159 : memref<128x128xf32, #tpu.memory_space<vmem>>)
    }
    %scan3A_147 = arith.constant 25 : i32
    %add3A_148 = arith.constant 384 : i32
    %add3A_149 = arith.addi %mul3A_2, %add3A_148 : i32
    "tpu.region"() ({
      %run_scoped3A = tpu.sem_alloc : memref<!tpu.dma_semaphore, #tpu.memory_space<semaphore_mem>>
      %dma_start3A_150 = arith.constant 384 : i32
      %dma_start3A_151 = arith.constant 0 : i32
      %dma_start3A_152 = tpu.memref_slice %arg6[%dma_start3A_150, %dma_start3A_151] : memref<512x128xf32, #tpu.memory_space<vmem>> -> memref<128x128xf32, #tpu.memory_space<vmem>>
      %dma_start3A_153 = arith.constant 0 : i32
      %dma_start3A_154 = tpu.memref_slice %arg4[%add3A_149, %dma_start3A_153] : memref<16384x128xf32, #tpu.memory_space<hbm>> -> memref<128x128xf32, #tpu.memory_space<hbm>>
      %dma_start3A_155 = arith.constant 0 : i32
      %dma_start3A_156 = tpu.memref_slice %arg4[%add3A_149, %dma_start3A_155] : memref<16384x128xf32, #tpu.memory_space<hbm>> -> memref<128x128xf32, #tpu.memory_space<hbm>>
      %dma_start3A_157 = arith.constant 384 : i32
      %dma_start3A_158 = arith.constant 0 : i32
      %dma_start3A_159 = tpu.memref_slice %arg6[%dma_start3A_157, %dma_start3A_158] : memref<512x128xf32, #tpu.memory_space<vmem>> -> memref<128x128xf32, #tpu.memory_space<vmem>>
      tpu.enqueue_dma source(%dma_start3A_159 : memref<128x128xf32, #tpu.memory_space<vmem>>) target(%dma_start3A_156 : memref<128x128xf32, #tpu.memory_space<hbm>>) target_semaphore(%run_scoped3A : memref<!tpu.dma_semaphore, #tpu.memory_space<semaphore_mem>>)
      %dma_wait3A_160 = arith.constant 384 : i32
      %dma_wait3A_161 = arith.constant 0 : i32
      %dma_wait3A_162 = tpu.memref_slice %arg6[%dma_wait3A_160, %dma_wait3A_161] : memref<512x128xf32, #tpu.memory_space<vmem>> -> memref<128x128xf32, #tpu.memory_space<vmem>>
      %dma_wait3A_163 = arith.constant 0 : i32
      %dma_wait3A_164 = tpu.memref_slice %arg4[%add3A_149, %dma_wait3A_163] : memref<16384x128xf32, #tpu.memory_space<hbm>> -> memref<128x128xf32, #tpu.memory_space<hbm>>
      %dma_wait3A_165 = arith.constant 0 : i32
      %dma_wait3A_166 = tpu.memref_slice %arg4[%add3A_149, %dma_wait3A_165] : memref<16384x128xf32, #tpu.memory_space<hbm>> -> memref<128x128xf32, #tpu.memory_space<hbm>>
      %dma_wait3A_167 = arith.constant 384 : i32
      %dma_wait3A_168 = arith.constant 0 : i32
      %dma_wait3A_169 = tpu.memref_slice %arg6[%dma_wait3A_167, %dma_wait3A_168] : memref<512x128xf32, #tpu.memory_space<vmem>> -> memref<128x128xf32, #tpu.memory_space<vmem>>
      tpu.wait_dma2 semaphore(%run_scoped3A : memref<!tpu.dma_semaphore, #tpu.memory_space<semaphore_mem>>) src(%dma_wait3A_169 : memref<128x128xf32, #tpu.memory_space<vmem>>) dst(%dma_wait3A_166 : memref<128x128xf32, #tpu.memory_space<hbm>>)
      tpu.yield
    }) : () -> ()
    return
  }
}

module attributes {stable_mosaic.version = 14 : i64} {
  func.func @_scale_body(%arg0: i32, %arg1: memref<1000x128xf32, #tpu.memory_space<vmem>>, %arg2: memref<26x1xf32, #tpu.memory_space<smem>>, %arg3: memref<1000x128xf32, #tpu.memory_space<vmem>>) attributes {dimension_semantics = [#tpu.dimension_semantics<arbitrary>], iteration_bounds = array<i64: 26>, scalar_prefetch = 0 : i64, scratch_operands = 0 : i64, tpu.core_type = #tpu.core_type<tc>, window_params = [{transform_indices = @transform_0, window_bounds = array<i64: 1000, 128>}, {transform_indices = @transform_1, window_bounds = array<i64: 26, 1>}, {transform_indices = @transform_2, window_bounds = array<i64: 1000, 128>}]} {
    %get3A = arith.constant 0 : index
    %get3A_0 = arith.constant 0 : index
    %get3A_1 = vector.load %arg1[%get3A, %get3A_0] : memref<1000x128xf32, #tpu.memory_space<vmem>>, vector<1000x128xf32>
    %get3A_2 = arith.index_cast %arg0 : i32 to index
    %get3A_3 = arith.constant 0 : index
    %get3A_4 = memref.load %arg2[%get3A_2, %get3A_3] : memref<26x1xf32, #tpu.memory_space<smem>>
    %mul3A = vector.broadcast %get3A_4 : f32 to vector<1000x128xf32>
    %mul3A_5 = arith.mulf %get3A_1, %mul3A : vector<1000x128xf32>
    %swap3A = arith.constant 0 : index
    %swap3A_6 = arith.constant 0 : index
    %swap3A_7 = vector.load %arg3[%swap3A, %swap3A_6] : memref<1000x128xf32, #tpu.memory_space<vmem>>, vector<1000x128xf32>
    tpu.vector_store %arg3[%swap3A, %swap3A_6], %mul3A_5 {strides = array<i32>} : memref<1000x128xf32, #tpu.memory_space<vmem>>, vector<1000x128xf32>,
    return
  }
  func.func @transform_0(%arg0: i32) -> (i32, i32) {
    %c0_i32 = arith.constant 0 : i32
    %c0_i32_0 = arith.constant 0 : i32
    return %arg0, %c0_i32 : i32, i32
  }
  func.func @transform_1(%arg0: i32) -> (i32, i32) {
    %c0_i32 = arith.constant 0 : i32
    %c0_i32_0 = arith.constant 0 : i32
    %c0_i32_1 = arith.constant 0 : i32
    return %c0_i32, %c0_i32_0 : i32, i32
  }
  func.func @transform_2(%arg0: i32) -> (i32, i32) {
    %c0_i32 = arith.constant 0 : i32
    %c0_i32_0 = arith.constant 0 : i32
    return %arg0, %c0_i32 : i32, i32
  }
}

module attributes {stable_mosaic.version = 14 : i64} {
  func.func @_finish_body(%arg0: i32, %arg1: memref<1024x16xf32, #tpu.memory_space<vmem>>, %arg2: memref<1024x128xf32, #tpu.memory_space<vmem>>, %arg3: memref<16x32xf32, #tpu.memory_space<vmem>>, %arg4: memref<1x32xf32, #tpu.memory_space<vmem>>, %arg5: memref<32x128xf32, #tpu.memory_space<vmem>>, %arg6: memref<1x128xf32, #tpu.memory_space<vmem>>, %arg7: memref<1x1xf32, #tpu.memory_space<vmem>>, %arg8: memref<1x1xf32, #tpu.memory_space<vmem>>, %arg9: memref<1x128xf32, #tpu.memory_space<vmem>>, %arg10: memref<1x128xf32, #tpu.memory_space<vmem>>, %arg11: memref<1024x128xf32, #tpu.memory_space<vmem>>) attributes {dimension_semantics = [#tpu.dimension_semantics<arbitrary>], iteration_bounds = array<i64: 16>, scalar_prefetch = 0 : i64, scratch_operands = 0 : i64, tpu.core_type = #tpu.core_type<tc>, window_params = [{transform_indices = @transform_0, window_bounds = array<i64: 1024, 16>}, {transform_indices = @transform_1, window_bounds = array<i64: 1024, 128>}, {pipeline_mode = #tpu.pipeline_mode<synchronous>, transform_indices = @transform_2, window_bounds = array<i64: 16, 32>}, {pipeline_mode = #tpu.pipeline_mode<synchronous>, transform_indices = @transform_3, window_bounds = array<i64: 1, 32>}, {pipeline_mode = #tpu.pipeline_mode<synchronous>, transform_indices = @transform_4, window_bounds = array<i64: 32, 128>}, {pipeline_mode = #tpu.pipeline_mode<synchronous>, transform_indices = @transform_5, window_bounds = array<i64: 1, 128>}, {pipeline_mode = #tpu.pipeline_mode<synchronous>, transform_indices = @transform_6, window_bounds = array<i64: 1, 1>}, {pipeline_mode = #tpu.pipeline_mode<synchronous>, transform_indices = @transform_7, window_bounds = array<i64: 1, 1>}, {pipeline_mode = #tpu.pipeline_mode<synchronous>, transform_indices = @transform_8, window_bounds = array<i64: 1, 128>}, {pipeline_mode = #tpu.pipeline_mode<synchronous>, transform_indices = @transform_9, window_bounds = array<i64: 1, 128>}, {transform_indices = @transform_10, window_bounds = array<i64: 1024, 128>}]} {
    %get3A = arith.constant 0 : index
    %get3A_0 = arith.constant 0 : index
    %get3A_1 = vector.load %arg1[%get3A, %get3A_0] : memref<1024x16xf32, #tpu.memory_space<vmem>>, vector<1024x16xf32>
    %ne3A = arith.cmpf one, %get3A_1, %get3A_1 : vector<1024x16xf32>
    %jit3A = arith.constant 0.000000e+00 : f32
    %broadcast_in_dim3A = vector.broadcast %jit3A : f32 to vector<1024x16xf32>
    %select_n3A = arith.select %ne3A, %broadcast_in_dim3A, %get3A_1 : vector<1024x16xi1>, vector<1024x16xf32>
    %get3A_2 = arith.constant 0 : index
    %get3A_3 = arith.constant 0 : index
    %get3A_4 = vector.load %arg3[%get3A_2, %get3A_3] : memref<16x32xf32, #tpu.memory_space<vmem>>, vector<16x32xf32>
    %dot_general3A = arith.constant dense<0.000000e+00> : vector<1024x32xf32>
    %dot_general3A_5 = tpu.matmul %select_n3A, %get3A_4, %dot_general3A {dimension_numbers = #tpu.dot_dimension_numbers<[1], [0], [0], [1], [0, 0, 1, 1], [], []>, transpose_lhs_hint = false} : vector<1024x16xf32>, vector<16x32xf32>, vector<1024x32xf32> -> vector<1024x32xf32>
    %get3A_6 = arith.constant 0 : index
    %get3A_7 = arith.constant 0 : index
    %get3A_8 = vector.load %arg4[%get3A_6, %get3A_7] : memref<1x32xf32, #tpu.memory_space<vmem>>, vector<1x32xf32>
    %add3A = vector.broadcast %get3A_8 : vector<1x32xf32> to vector<1024x32xf32>
    %add3A_9 = arith.addf %dot_general3A_5, %add3A : vector<1024x32xf32>
    %max3A = arith.constant 0.000000e+00 : f32
    %max3A_10 = vector.broadcast %max3A : f32 to vector<1024x32xf32>
    %max3A_11 = arith.maximumf %add3A_9, %max3A_10 : vector<1024x32xf32>
    %jit3A_12 = arith.constant -6.500000e+04 : f32
    %jit3A_13 = arith.constant 6.500000e+04 : f32
    %max3A_14 = vector.broadcast %jit3A_12 : f32 to vector<1024x32xf32>
    %max3A_15 = arith.maximumf %max3A_14, %max3A_11 : vector<1024x32xf32>
    %min3A = vector.broadcast %jit3A_13 : f32 to vector<1024x32xf32>
    %min3A_16 = arith.minimumf %min3A, %max3A_15 : vector<1024x32xf32>
    %get3A_17 = arith.constant 0 : index
    %get3A_18 = arith.constant 0 : index
    %get3A_19 = vector.load %arg5[%get3A_17, %get3A_18] : memref<32x128xf32, #tpu.memory_space<vmem>>, vector<32x128xf32>
    %dot_general3A_20 = arith.constant dense<0.000000e+00> : vector<1024x128xf32>
    %dot_general3A_21 = tpu.matmul %min3A_16, %get3A_19, %dot_general3A_20 {dimension_numbers = #tpu.dot_dimension_numbers<[1], [0], [0], [1], [0, 0, 1, 1], [], []>, transpose_lhs_hint = false} : vector<1024x32xf32>, vector<32x128xf32>, vector<1024x128xf32> -> vector<1024x128xf32>
    %get3A_22 = arith.constant 0 : index
    %get3A_23 = arith.constant 0 : index
    %get3A_24 = vector.load %arg6[%get3A_22, %get3A_23] : memref<1x128xf32, #tpu.memory_space<vmem>>, vector<1x128xf32>
    %add3A_25 = vector.broadcast %get3A_24 : vector<1x128xf32> to vector<1024x128xf32>
    %add3A_26 = arith.addf %dot_general3A_21, %add3A_25 : vector<1024x128xf32>
    %max3A_27 = arith.constant 0.000000e+00 : f32
    %max3A_28 = vector.broadcast %max3A_27 : f32 to vector<1024x128xf32>
    %max3A_29 = arith.maximumf %add3A_26, %max3A_28 : vector<1024x128xf32>
    %get3A_30 = arith.constant 0 : index
    %get3A_31 = arith.constant 0 : index
    %get3A_32 = vector.load %arg2[%get3A_30, %get3A_31] : memref<1024x128xf32, #tpu.memory_space<vmem>>, vector<1024x128xf32>
    %get3A_33 = arith.constant 0 : index
    %get3A_34 = arith.constant 0 : index
    %get3A_35 = vector.load %arg7[%get3A_33, %get3A_34] : memref<1x1xf32, #tpu.memory_space<vmem>>, vector<1x1xf32>
    %mul3A = vector.broadcast %get3A_35 : vector<1x1xf32> to vector<1024x128xf32>
    %mul3A_36 = arith.mulf %max3A_29, %mul3A : vector<1024x128xf32>
    %add3A_37 = arith.addf %get3A_32, %mul3A_36 : vector<1024x128xf32>
    %get3A_38 = arith.constant 0 : index
    %get3A_39 = arith.constant 0 : index
    %get3A_40 = vector.load %arg8[%get3A_38, %get3A_39] : memref<1x1xf32, #tpu.memory_space<vmem>>, vector<1x1xf32>
    %add3A_41 = vector.broadcast %get3A_40 : vector<1x1xf32> to vector<1024x128xf32>
    %add3A_42 = arith.addf %add3A_37, %add3A_41 : vector<1024x128xf32>
    %reduce_sum3A = arith.constant dense<0.000000e+00> : vector<1024xf32>
    %reduce_sum3A_43 = vector.multi_reduction <add>, %add3A_42, %reduce_sum3A [1] : vector<1024x128xf32> to vector<1024xf32>
    %broadcast_in_dim3A_44 = vector.shape_cast %reduce_sum3A_43 : vector<1024xf32> to vector<1024x1xf32>
    %div3A = arith.constant 1.280000e+02 : f32
    %div3A_45 = vector.broadcast %div3A : f32 to vector<1024x1xf32>
    %div3A_46 = arith.divf %broadcast_in_dim3A_44, %div3A_45 : vector<1024x1xf32>
    %sub3A = vector.broadcast %div3A_46 : vector<1024x1xf32> to vector<1024x128xf32>
    %sub3A_47 = arith.subf %add3A_42, %sub3A : vector<1024x128xf32>
    %mul3A_48 = arith.mulf %sub3A_47, %sub3A_47 : vector<1024x128xf32>
    %reduce_sum3A_49 = arith.constant dense<0.000000e+00> : vector<1024xf32>
    %reduce_sum3A_50 = vector.multi_reduction <add>, %mul3A_48, %reduce_sum3A_49 [1] : vector<1024x128xf32> to vector<1024xf32>
    %broadcast_in_dim3A_51 = vector.shape_cast %reduce_sum3A_50 : vector<1024xf32> to vector<1024x1xf32>
    %div3A_52 = arith.constant 1.280000e+02 : f32
    %div3A_53 = vector.broadcast %div3A_52 : f32 to vector<1024x1xf32>
    %div3A_54 = arith.divf %broadcast_in_dim3A_51, %div3A_53 : vector<1024x1xf32>
    %add3A_55 = arith.constant 9.99999974E-6 : f32
    %add3A_56 = vector.broadcast %add3A_55 : f32 to vector<1024x1xf32>
    %add3A_57 = arith.addf %div3A_54, %add3A_56 : vector<1024x1xf32>
    %rsqrt3A = math.rsqrt %add3A_57 : vector<1024x1xf32>
    %mul3A_58 = vector.broadcast %rsqrt3A : vector<1024x1xf32> to vector<1024x128xf32>
    %mul3A_59 = arith.mulf %sub3A_47, %mul3A_58 : vector<1024x128xf32>
    %get3A_60 = arith.constant 0 : index
    %get3A_61 = arith.constant 0 : index
    %get3A_62 = vector.load %arg9[%get3A_60, %get3A_61] : memref<1x128xf32, #tpu.memory_space<vmem>>, vector<1x128xf32>
    %mul3A_63 = vector.broadcast %get3A_62 : vector<1x128xf32> to vector<1024x128xf32>
    %mul3A_64 = arith.mulf %mul3A_59, %mul3A_63 : vector<1024x128xf32>
    %get3A_65 = arith.constant 0 : index
    %get3A_66 = arith.constant 0 : index
    %get3A_67 = vector.load %arg10[%get3A_65, %get3A_66] : memref<1x128xf32, #tpu.memory_space<vmem>>, vector<1x128xf32>
    %add3A_68 = vector.broadcast %get3A_67 : vector<1x128xf32> to vector<1024x128xf32>
    %add3A_69 = arith.addf %mul3A_64, %add3A_68 : vector<1024x128xf32>
    %swap3A = arith.constant 0 : index
    %swap3A_70 = arith.constant 0 : index
    %swap3A_71 = vector.load %arg11[%swap3A, %swap3A_70] : memref<1024x128xf32, #tpu.memory_space<vmem>>, vector<1024x128xf32>
    tpu.vector_store %arg11[%swap3A, %swap3A_70], %add3A_69 {strides = array<i32>} : memref<1024x128xf32, #tpu.memory_space<vmem>>, vector<1024x128xf32>,
    return
  }
  func.func @transform_0(%arg0: i32) -> (i32, i32) {
    %c0_i32 = arith.constant 0 : i32
    %c0_i32_0 = arith.constant 0 : i32
    return %arg0, %c0_i32 : i32, i32
  }
  func.func @transform_1(%arg0: i32) -> (i32, i32) {
    %c0_i32 = arith.constant 0 : i32
    %c0_i32_0 = arith.constant 0 : i32
    return %arg0, %c0_i32 : i32, i32
  }
  func.func @transform_2(%arg0: i32) -> (i32, i32) {
    %c0_i32 = arith.constant 0 : i32
    %c0_i32_0 = arith.constant 0 : i32
    %c0_i32_1 = arith.constant 0 : i32
    return %c0_i32, %c0_i32_0 : i32, i32
  }
  func.func @transform_3(%arg0: i32) -> (i32, i32) {
    %c0_i32 = arith.constant 0 : i32
    %c0_i32_0 = arith.constant 0 : i32
    %c0_i32_1 = arith.constant 0 : i32
    return %c0_i32, %c0_i32_0 : i32, i32
  }
  func.func @transform_4(%arg0: i32) -> (i32, i32) {
    %c0_i32 = arith.constant 0 : i32
    %c0_i32_0 = arith.constant 0 : i32
    %c0_i32_1 = arith.constant 0 : i32
    return %c0_i32, %c0_i32_0 : i32, i32
  }
  func.func @transform_5(%arg0: i32) -> (i32, i32) {
    %c0_i32 = arith.constant 0 : i32
    %c0_i32_0 = arith.constant 0 : i32
    %c0_i32_1 = arith.constant 0 : i32
    return %c0_i32, %c0_i32_0 : i32, i32
  }
  func.func @transform_6(%arg0: i32) -> (i32, i32) {
    %c0_i32 = arith.constant 0 : i32
    %c0_i32_0 = arith.constant 0 : i32
    %c0_i32_1 = arith.constant 0 : i32
    return %c0_i32, %c0_i32_0 : i32, i32
  }
  func.func @transform_7(%arg0: i32) -> (i32, i32) {
    %c0_i32 = arith.constant 0 : i32
    %c0_i32_0 = arith.constant 0 : i32
    %c0_i32_1 = arith.constant 0 : i32
    return %c0_i32, %c0_i32_0 : i32, i32
  }
  func.func @transform_8(%arg0: i32) -> (i32, i32) {
    %c0_i32 = arith.constant 0 : i32
    %c0_i32_0 = arith.constant 0 : i32
    %c0_i32_1 = arith.constant 0 : i32
    return %c0_i32, %c0_i32_0 : i32, i32
  }
  func.func @transform_9(%arg0: i32) -> (i32, i32) {
    %c0_i32 = arith.constant 0 : i32
    %c0_i32_0 = arith.constant 0 : i32
    %c0_i32_1 = arith.constant 0 : i32
    return %c0_i32, %c0_i32_0 : i32, i32
  }
  func.func @transform_10(%arg0: i32) -> (i32, i32) {
    %c0_i32 = arith.constant 0 : i32
    %c0_i32_0 = arith.constant 0 : i32
    return %arg0, %c0_i32 : i32, i32
  }
}

</mosaic_0001>

<sc_bundles>
// kernel: kernel.5.cloned.1.call-start
scs
__scs_entry_jumppad:
0x0: {  	(pc) =	sbr.rel $0x88, $3  }
0x1: {  	(tag) =	ssettag $0x0;
	lr =	simm.s32 $0x1  }
0x2: {  	[smem:$0x3F96] =	sst lr;
	_ =	strace $0xD0000000  }
0x3: {  	_ = 	snop  }
0x4: {  	_ = 	snop  }
0x5: {  	_ = 	snop  }
0x6: {  	_ = 	snop  }
0x7: {  	_ = 	snop  }
__scs_overlays_trampoline_lowered:
0x8: {  	[smem:$0x3FA5] =	sst s0  }
0x9: {  	[smem:$0x3FA6] =	sst s1  }
0xa: {  	[smem:$0x3FA7] =	sst s2  }
0xb: {  	[smem:$0x3FA8] =	sst s3  }
0xc: {  	[smem:$0x3FA9] =	sst s4  }
0xd: {  	[smem:$0x3FAA] =	sst s5  }
0xe: {  	[smem:$0x3FAB] =	sst s6  }
0xf: {  	[smem:$0x3FAC] =	sst s7  }
0x10: {  	[smem:$0x3FAD] =	sst s8  }
0x11: {  	[smem:$0x3FAE] =	sst s9;
	s0 =	simm.s32 @!p0 $0x0  }
0x12: {  	s1 =	sld [smem:$0x3F94];
	s0 =	simm.s32 @p0 $0x1  }
0x13: {  	[smem:$0x3FAF] =	sst s0;
	s0 =	simm.s32 @!p1 $0x0  }
0x14: {  	s2 =	sld [smem:$0x3F93];
	s0 =	simm.s32 @p1 $0x1  }
0x15: {  	[smem:$0x3FB0] =	sst s0;
	s0 =	simm.s32 @!p2 $0x0  }
0x16: {  	s3 =	sld [smem:$0x3FDB];
	s0 =	simm.s32 @p2 $0x1  }
0x17: {  	s4 =	simm.s32 $0x1BF5;
	[smem:$0x3FB2] =	sst s0  }
0x18: {  	s0 =	sld [smem:$0x3F95];
	_ =	swait.ge [sflag:s4], $0x0  }
0x19: {  	s7 =	sld [smem:$0x3F96]  }
0x1a: {  	s8 =	sadd.s32 $0xFFFFE003, lr  }
0x1b: {  	s9 =	sadd.s32 $0xFFFFFEF7, lr;
	s5 =	simm.s32 $0xFFFFFFFF;
	p2 =	slt.u32 s8, $0xFFFFF086  }
0x1c: {  	p1 =	slt.u32 s9, $0xF7A;
	s5 =	simm.s32 @!p2 $0x0  }
0x1d: {  	s5 =	simm.s32 @p1 $0x1;
	p0 =	seq.s32 s7, s2  }
0x1e: {  	s7 =	smul.u32 @!p0 $0xF7A, s2;
	p2 =	seq.s32 @!p0 s5, $0x0  }
0x1f: {  	s9 =	smul.u32 $0xF7A, s1;
	s8 =	simm.s32 @!p0 $0x1BF5;
	p2 =	por !p2, p0  }
0x20: {  	[sflag:s8] =	ssyncset.s32 @!p0 $0xFFFFF086;
	s6 =	sadd.s32 @!p0 s3, s7;
	s7 =	simm.s32 @!p0 $0x108  }
0x21: {  	s3 =	sadd.s32 s3, s9;
	s6 =	sadd.s32 @!p0 $0x88, s6;
	s7 =	simm.s32 @p2 $0x1082  }
0x22: {  	[simem:s7], [sflag:s8] =	dma.local @!p0 [hbm:s6], $0xF7A  }
0x23: {  	s9 =	sor.u32 $0xD0000000, s2;
	s6 =	simm.s32 $0x108;
	_ =	swait.ge @!p0 [sflag:s8], $0x0  }
0x24: {  	s3 =	sadd.s32 $0x88, s3;
	s6 =	simm.s32 @!p1 $0x1082;
	[sflag:s4] =	ssyncset.s32 $0xFFFFF086  }
0x25: {  	[simem:s6], [sflag:s4] =	dma.local [hbm:s3], $0xF7A  }
0x26: {  	[smem:$0x3F96] =	sst s1;
	(tag) =	ssettag s2;
	_ =	strace s9  }
0x27: {  	s1 =	sld [smem:$0x3FA6]  }
0x28: {  	s2 =	sld [smem:$0x3FA7]  }
0x29: {  	s4 =	sld [smem:$0x3FA9]  }
0x2a: {  	p0 =	seq.s32 s5, $0x0;
	s5 =	sld [smem:$0x3FAA]  }
0x2b: {  	s6 =	sld [smem:$0x3FAB]  }
0x2c: {  	s7 =	sld [smem:$0x3FAC]  }
0x2d: {  	s3 =	simm.s32 $0x108;
	s8 =	sld [smem:$0x3FAD]  }
0x2e: {  	s3 =	simm.s32 @!p0 $0x1082;
	s9 =	sld [smem:$0x3FAE]  }
0x2f: {  	lr =	sadd.s32 s0, s3;
	s0 =	sld [smem:$0x3FA5]  }
0x30: {  	s3 =	sld [smem:$0x3FA8]  }
0x31: {  	[smem:$0x3FB1] =	sst s10  }
0x32: {  	s10 =	sld [smem:$0x3FAF];
	_ =	sdelay $0x3  }
0x33: {  	p0 =	seq.s32 s10, $0x1;
	s10 =	sld [smem:$0x3FB1];
	_ =	sdelay $0x3  }
0x34: {  	[smem:$0x3FB1] =	sst s10  }
0x35: {  	s10 =	sld [smem:$0x3FB0];
	_ =	sdelay $0x3  }
0x36: {  	p1 =	seq.s32 s10, $0x1;
	s10 =	sld [smem:$0x3FB1];
	_ =	sdelay $0x3  }
0x37: {  	[smem:$0x3FB1] =	sst s10  }
0x38: {  	s10 =	sld [smem:$0x3FB2]  }
0x39: {  	_ = 	snop;
	(pc) =	sbr.ind lr, $3  }
0x3a: {  	_ = 	snop  }
0x3b: {  	_ = 	snop  }
0x3c: {  	p2 =	seq.s32 s10, $0x1;
	s10 =	sld [smem:$0x3FB1]  }
0x3d: {  	_ =	shalt  }
0x3e: {  	_ =	shalt  }
0x3f: {  	_ =	shalt  }
0x40: {  	_ =	shalt  }
0x41: {  	_ =	shalt  }
0x42: {  	_ =	shalt  }
0x43: {  	_ =	shalt  }
0x44: {  	_ =	shalt  }
0x45: {  	_ =	shalt  }
0x46: {  	_ =	shalt  }
0x47: {  	_ =	shalt  }
0x48: {  	_ =	shalt  }
0x49: {  	_ =	shalt  }
0x4a: {  	_ =	shalt  }
0x4b: {  	_ =	shalt  }
0x4c: {  	_ =	shalt  }
0x4d: {  	_ =	shalt  }
0x4e: {  	_ =	shalt  }
0x4f: {  	_ =	shalt  }
0x50: {  	_ =	shalt  }
0x51: {  	_ =	shalt  }
0x52: {  	_ =	shalt  }
0x53: {  	_ =	shalt  }
0x54: {  	_ =	shalt  }
0x55: {  	_ =	shalt  }
0x56: {  	_ =	shalt  }
0x57: {  	_ =	shalt  }
0x58: {  	_ =	shalt  }
0x59: {  	_ =	shalt  }
0x5a: {  	_ =	shalt  }
0x5b: {  	_ =	shalt  }
0x5c: {  	_ =	shalt  }
0x5d: {  	_ =	shalt  }
0x5e: {  	_ =	shalt  }
0x5f: {  	_ =	shalt  }
0x60: {  	_ =	shalt  }
0x61: {  	_ =	shalt  }
0x62: {  	_ =	shalt  }
0x63: {  	_ =	shalt  }
0x64: {  	_ =	shalt  }
0x65: {  	_ =	shalt  }
0x66: {  	_ =	shalt  }
0x67: {  	_ =	shalt  }
0x68: {  	_ =	shalt  }
0x69: {  	_ =	shalt  }
0x6a: {  	_ =	shalt  }
0x6b: {  	_ =	shalt  }
0x6c: {  	_ =	shalt  }
0x6d: {  	_ =	shalt  }
0x6e: {  	_ =	shalt  }
0x6f: {  	_ =	shalt  }
0x70: {  	_ =	shalt  }
0x71: {  	_ =	shalt  }
0x72: {  	_ =	shalt  }
0x73: {  	_ =	shalt  }
0x74: {  	_ =	shalt  }
0x75: {  	_ =	shalt  }
0x76: {  	_ =	shalt  }
0x77: {  	_ =	shalt  }
0x78: {  	_ =	shalt  }
0x79: {  	_ =	shalt  }
0x7a: {  	_ =	shalt  }
0x7b: {  	_ =	shalt  }
0x7c: {  	_ =	shalt  }
0x7d: {  	_ =	shalt  }
0x7e: {  	_ =	shalt  }
0x7f: {  	_ =	shalt  }
0x80: {  	_ =	shalt  }
0x81: {  	_ =	shalt  }
0x82: {  	_ =	shalt  }
0x83: {  	_ =	shalt  }
0x84: {  	_ =	shalt  }
0x85: {  	_ =	shalt  }
0x86: {  	_ =	shalt  }
0x87: {  	_ =	shalt  }
.Lfunc_end0:
.L_simem_size_0:
called_computation_lowered:
.L_overlay_start_0:
0x88: {  	s2 =	sld [smem:$0x3FD9]  }
0x89: {  	s3 =	sld [smem:$0x3FFE];
	_ =	sdelay $0x1  }
0x8a: {  	s1 =	srdreg.scid  }
0x8b: {  	s0 =	sand.u32 $0x1, s1  }
0x8c: {  	s17 =	sshll.u32 s0, $0xA;
	s2 =	sadd.s32 s3, s2  }
0x8d: {  	s2 =	sadd.s32 s2, s17  }
0x8e: {  	[smem:$0x3FBD] =	sst s2  }
0x8f: {  	_ = 	snop  }
0x90: {  	s2 =	sld [smem:$0x3FD0];
	(tm) =	ssettm $0x1  }
0x91: {  	s18 =	sld [smem:$0x3FFB];
	_ =	sdelay $0x3  }
0x92: {  	_ =	strace s18  }
0x93: {  	s3 =	sld [smem:$0x3FFC];
	_ =	sdelay $0x3  }
0x94: {  	_ =	strace s3  }
0x95: {  	s3 =	sld [smem:$0x3FFD];
	_ =	sdelay $0x3  }
0x96: {  	_ =	strace s3  }
0x97: {  	_ =	strace $0x8FFFFFFF  }
0x98: {  	s19 =	sld [smem:$0x3FDB];
	_ =	sdelay $0x1  }
0x99: {  	s4 =	simm.s32 $_scs_section_size  }
0x9a: {  	s5 =	simm.s32 $_size__tile_overlayer_lowered;
	s6 =	simm.s32 $_tile_overlayer_lowered  }
0x9b: {  	s22 =	simm.s32 $0x1BFF;
	s21 =	sshll.u32 s6, $0x1;
	s3 =	sadd.s32 s4, s19  }
0x9c: {  	s7 =	simm.s32 $0x0;
	s20 =	sshll.u32 s5, $0x1;
	s5 =	sadd.s32 s21, s3  }
0x9d: {  	[timem:s7], [sflag:s22] =	dma.local [hbm:s5], s20  }
0x9e: {  	_ =	swait.ge [sflag:s22], s20  }
0x9f: {  	s4 =	ssub.s32 $0x0, s20;
	[sflag:s22] =	ssyncset.done $0x0  }
0xa0: {  	[sflag:s22] =	ssyncadd.s32 s4;
	_ =	sdelay $0x1  }
0xa1: {  	s23 =	simm.s32 $0x1B8B  }
0xa2: {  	_ =	swait.ge [sflag:s23], $0x1  }
0xa3: {  	[sflag:s23] =	ssyncset.done $0x0  }
0xa4: {  	s25 =	simm.s32 $0x1B8E;
	s24 =	sld [smem:$0x3FFE];
	[sflag:s23] =	ssyncadd.s32 $0xFFFFFFFF  }
0xa5: {  	s26 =	simm.s32 $execute0_lowered;
	[smem:$0x3FD2] =	sst s25  }
0xa6: {  	s5 =	sshll.u32 s26, $0x1;
	_ =	strace $0x80000046;
	[dreg:$0x1] =	wrdreg $0xFFFFFFFF  }
0xa7: {  	s28 =	simm.s32 $_size_execute0_lowered;
	s3 =	sadd.s32 s3, s5;
	[dreg:$0x0] =	wrdreg $0x0  }
0xa8: {  	s5 =	sshll.u32 s28, $0x1;
	[dreg:$0x2] =	wrdreg s3  }
0xa9: {  	[dreg:$0x3] =	wrdreg s5  }
0xaa: {  	[dreg:$0x4] =	wrdreg $0xC0  }
0xab: {  	_ =	task [dreg:s7], $0x5FFFF  }
0xac: {  	[dreg:$0x1] =	wrdreg $0xFFFFFFFF  }
0xad: {  	[dreg:$0x0] =	wrdreg $0x60  }
0xae: {  	[dreg:$0x2] =	wrdreg s24  }
0xaf: {  	[dreg:$0x3] =	wrdreg s2  }
0xb0: {  	[dreg:$0x4] =	wrdreg $0x9  }
0xb1: {  	_ =	task.clear_ibuf [dreg:s7], $0x5FFFF;
	_ =	strace $0x90000046  }
0xb2: {  	s29 =	simm.s32 $0x9;
	_ =	strace $0x80000048  }
0xb3: {  	_ =	swait.ge [sflag:s29], $0x1  }
0xb4: {  	[sflag:s29] =	ssyncadd.s32 $0xFFFFFFFF  }
0xb5: {  	_ =	strace $0x90000048  }
0xb6: {  	_ =	sfence  }
0xb7: {  	s30 =	sld [smem:$0x0];
	_ =	sdelay $0x2  }
0xb8: {  	s31 =	sshll.u32 s1, $0xD;
	s1 =	sshrl.u32 s1, $0x2  }
0xb9: {  	s3 =	sand.u32 $0x4000, s31;
	s1 =	sadd.s32 s1, s30  }
0xba: {  	s0 =	sor.u32 s3, s0;
	s1 =	sshll.u32 s1, $0x11  }
0xbb: {  	s0 =	sor.u32 s1, s0  }
0xbc: {  	s0 =	sadd.s32 $0x8F2B, s0  }
0xbd: {  	[sflag:s0] =	ssyncadd.remote.s32 $0x1  }
0xbe: {  	_ =	sfence.sel $0xFFFF  }
0xbf: {  	[dreg:$0x0] =	wrdreg $0xFFFFFFFF;
	(pc) =	sbr.abs _section_cstart, $3  }
0xc0: {  	[dreg:$0x1] =	wrdreg $0xFFFFFFFF  }
0xc1: {  	_ =	task.clear_ibuf [dreg:s7], $0x2FFFF;
	_ =	strace $0x9FFFFFFF  }
0xc2: {  	(tm) =	ssettm $0x7FFFFFFF  }
0xc3: {  	_ =	shalt  }
tec
execute0_lowered:
.L_overlay_start_1:
0x0: {  	(tag) =	ssettag $0x1  }
0x1: {  	s0 =	srdreg.scid;
	s1 =	rddreg [dreg:$0x0]  }
0x2: {  	s2 =	stileid.u32;
	s5 =	rddreg [dreg:$0x1];
	s10 =	simm.s32 $0x5  }
0x3: {  	s11 =	simm.s32 $0x80;
	s12 =	simm.s32 $0x3400;
	s13 =	simm.s32 $0x7400  }
0x4: {  	s15 =	simm.s32 $0xB400;
	s17 =	simm.s32 $0xF400;
	s18 =	simm.s32 $0x1  }
0x5: {  	s29 =	simm.s32 $0x2;
	s23 =	simm.s32 $0x3;
	s20 =	simm.s32 $0x4  }
0x6: {  	s28 =	simm.s32 $0x2780;
	s30 =	simm.s32 $0x2980;
	s31 =	simm.s32 $0x2B80  }
0x7: {  	s14 =	simm.s32 $0x3180;
	s0 =	sand.u32 $0x1, s0;
	s2 =	sshll.u32 s2, $0x1  }
0x8: {  	s16 =	simm.s32 $0x3380;
	s19 =	simm.s32 $0x0;
	s4 =	sor.u32 s0, s2  }
0x9: {  	s2 =	simm.s32 $0x0;
	s0 =	ssub.s32 $0x2, s0;
	s3 =	smul.u32 $0x680, s4  }
0xa: {  	[smem:$0x7FF] =	sst s2;
	s26 =	sshrl.u32 s0, $0x1;
	s7 =	sshll.u32 s4, $0xD  }
0xb: {  	_ =	strace $0x80000047;
	s0 =	ssub.s32 s0, s26;
	s5 =	sadd.s32 s5, s7  }
0xc: {  	s6 =	sadd.s32 s3, s1;
	s3 =	sadd.s32 $0xE800, s1;
	s7 =	sadd.s32 $0x1000, s5  }
0xd: {  	s8 =	sadd.s32 $0x1800, s5;
	s9 =	smax.u32 s0, $0x1;
	s1 =	simm.s32 $0x2D80  }
0xe: {  	s0 =	simm.s32 $0x2F80;
	s4 =	sadd.s32 $0x1800, s6;
	s6 =	sadd.s32 $0x800, s5  }
.LBB2_1:
0xf: {  	[tilespmem:s2], [sflag:$0x5] =	stream.linear.gather [hbm4b:s4+s2], $0x3400, $0x38;
	[tilespmem:$0x13400] =	vst v63  }
0x10: {  	_ =	swait.ge [sflag:s10], $0x3400  }
0x11: {  	[sflag:s10] =	ssyncset.done $0x0  }
0x12: {  	s21 =	simm.s32 $0x40;
	[sflag:s10] =	ssyncadd.s32 $0xFFFFCC00  }
0x13: {  	v1 =	vld [tilespmem:s21+$0xFFFFFFC0]  }
0x14: {  	v4 =	vld [tilespmem:s21+$0xFFFFFFD0]  }
0x15: {  	s22 =	simm.s32 $0x0;
	v3 =	vld [tilespmem:s21+$0xFFFFFFE0]  }
0x16: {  	s22 =	smul.u32 $0x3E8, s22;
	v2 =	vld [tilespmem:s21+$0x0]  }
0x17: {  	v0 =	vld [tilespmem:s21+$0x10]  }
0x18: {  	v5 =	vadd.s32 s22, v1;
	v1 =	vld [tilespmem:s21+$0x20]  }
0x19: {  	s24 =	simm.s32 $0x1;
	s25 =	simm.s32 $0x40;
	[tilespmem:s21+$0xFFFFFFC0] =	vst v5;
	v5 =	vadd.s32 s22, v4;
	v4 =	vld [tilespmem:s21+$0x30]  }
.LBB2_2:
0x1a: {  	p0 =	sne.s32 s24, $0x67;
	[tilespmem:s21+$0xFFFFFFD0] =	vst v5;
	v3 =	vadd.s32 s22, v3;
	v5 =	vld [tilespmem:s21+$0xFFFFFFF0];
	s25 =	sadd.s32 $0x80, s25  }
0x1b: {  	v6 =	vld [tilespmem:s25+$0xFFFFFFC0];
	[tilespmem:s21+$0xFFFFFFE0] =	vst v3;
	v2 =	vadd.s32 s22, v2  }
0x1c: {  	v7 =	vld [tilespmem:s25+$0xFFFFFFD0];
	[tilespmem:s21+$0x0] =	vst v2;
	v0 =	vadd.s32 s22, v0  }
.Ltmp0:
0x1d: {  	s26 =	sshrl.u32 s24, $0x2;
	v3 =	vld [tilespmem:s25+$0xFFFFFFE0];
	[tilespmem:s21+$0x10] =	vst v0;
	v0 =	vadd.s32 s22, v1;
	(pc) =	sbr.rel @p0 .LBB2_2-.Ltmp0, $4  }
0x1e: {  	s26 =	smul.u32 $0x3E8, s26;
	v2 =	vld [tilespmem:s25+$0x0];
	[tilespmem:s21+$0x20] =	vst v0;
	v1 =	vadd.s32 s22, v4  }
0x1f: {  	v0 =	vld [tilespmem:s25+$0x10];
	v4 =	vadd.s32 s22, v5;
	[tilespmem:s21+$0x30] =	vst v1  }
0x20: {  	s22 =	smov.u32 s26;
	v5 =	vadd.s32 s26, v6;
	v1 =	vld [tilespmem:s25+$0x20];
	[tilespmem:s21+$0xFFFFFFF0] =	vst v4;
	s21 =	smov.u32 s25  }
0x21: {  	s24 =	sadd.s32 $0x1, s24;
	[tilespmem:s25+$0xFFFFFFC0] =	vst v5;
	v5 =	vadd.s32 s22, v7;
	v4 =	vld [tilespmem:s25+$0x30]  }
0x22: {  	[tilespmem:s21+$0xFFFFFFD0] =	vst v5;
	v3 =	vadd.s32 s22, v3;
	v60 =	vld [tilespmem:s21+$0xFFFFFFF0]  }
0x23: {  	[tilespmem:s21+$0xFFFFFFE0] =	vst v3;
	v2 =	vadd.s32 s22, v2  }
0x24: {  	[tilespmem:s21+$0x0] =	vst v2;
	v0 =	vadd.s32 s22, v0  }
0x25: {  	[tilespmem:s21+$0x10] =	vst v0;
	v61 =	vadd.s32 s22, v1  }
0x26: {  	[tilespmem:s21+$0x20] =	vst v61;
	v62 =	vadd.s32 s22, v4  }
0x27: {  	v63 =	vadd.s32 s22, v60;
	[tilespmem:s21+$0x30] =	vst v62  }
0x28: {  	[tilespmem:s21+$0xFFFFFFF0] =	vst v63  }
0x29: {  	[tilespmem:s12], [sflag:$0x1] =	stream.indirect.gather [hbm4b:s3+s11], $0x80, s2, s11, $0xb8;
	[tilespmem:$0x13400] =	vst v63  }
0x2a: {  	_ = 	snop  }
0x2b: {  	[tilespmem:s13], [sflag:$0x2] =	stream.indirect.gather [hbm4b:s3+s11], $0x80, s11, s11, $0xb8;
	[tilespmem:$0x13400] =	vst v63  }
0x2c: {  	s24 =	simm.s32 $0x100  }
0x2d: {  	[tilespmem:s15], [sflag:$0x3] =	stream.indirect.gather [hbm4b:s3+s11], $0x80, s24, s11, $0xb8;
	[tilespmem:$0x13400] =	vst v63  }
0x2e: {  	s25 =	simm.s32 $0x180  }
0x2f: {  	[tilespmem:s17], [sflag:$0x4] =	stream.indirect.gather [hbm4b:s3+s11], $0x80, s25, s11, $0xb8;
	[tilespmem:$0x13400] =	vst v63  }
0x30: {  	_ =	swait.ge [sflag:s18], $0x4000  }
0x31: {  	[sflag:s18] =	ssyncset.done $0x0  }
0x32: {  	s26 =	simm.s32 $0x200;
	[sflag:s18] =	ssyncadd.s32 $0xFFFFC000  }
0x33: {  	[tilespmem:s12], [sflag:$0x1] =	stream.indirect.gather.add.f32 [hbm:s3], $0x80, s26, s11, $0xb8;
	[tilespmem:$0x13400] =	vst v63  }
0x34: {  	s22 =	simm.s32 $0x400  }
0x35: {  	[tilespmem:s12], [sflag:$0x1] =	stream.indirect.gather.add.f32 [hbm:s3], $0x80, s22, s11, $0xb8;
	[tilespmem:$0x13400] =	vst v63  }
0x36: {  	s24 =	simm.s32 $0x600  }
0x37: {  	[tilespmem:s12], [sflag:$0x1] =	stream.indirect.gather.add.f32 [hbm:s3], $0x80, s24, s11, $0xb8;
	[tilespmem:$0x13400] =	vst v63  }
0x38: {  	s25 =	simm.s32 $0x800  }
0x39: {  	[tilespmem:s12], [sflag:$0x1] =	stream.indirect.gather.add.f32 [hbm:s3], $0x80, s25, s11, $0xb8;
	[tilespmem:$0x13400] =	vst v63  }
0x3a: {  	s26 =	simm.s32 $0xA00  }
0x3b: {  	[tilespmem:s12], [sflag:$0x1] =	stream.indirect.gather.add.f32 [hbm:s3], $0x80, s26, s11, $0xb8;
	[tilespmem:$0x13400] =	vst v63  }
0x3c: {  	s22 =	simm.s32 $0xC00  }
0x3d: {  	[tilespmem:s12], [sflag:$0x1] =	stream.indirect.gather.add.f32 [hbm:s3], $0x80, s22, s11, $0xb8;
	[tilespmem:$0x13400] =	vst v63  }
0x3e: {  	s24 =	simm.s32 $0xE00  }
0x3f: {  	[tilespmem:s12], [sflag:$0x1] =	stream.indirect.gather.add.f32 [hbm:s3], $0x80, s24, s11, $0xb8;
	[tilespmem:$0x13400] =	vst v63  }
0x40: {  	s25 =	simm.s32 $0x1000  }
0x41: {  	[tilespmem:s12], [sflag:$0x1] =	stream.indirect.gather.add.f32 [hbm:s3], $0x80, s25, s11, $0xb8;
	[tilespmem:$0x13400] =	vst v63  }
0x42: {  	s26 =	simm.s32 $0x1200  }
0x43: {  	[tilespmem:s12], [sflag:$0x1] =	stream.indirect.gather.add.f32 [hbm:s3], $0x80, s26, s11, $0xb8;
	[tilespmem:$0x13400] =	vst v63  }
0x44: {  	s22 =	simm.s32 $0x1400  }
0x45: {  	[tilespmem:s12], [sflag:$0x1] =	stream.indirect.gather.add.f32 [hbm:s3], $0x80, s22, s11, $0xb8;
	[tilespmem:$0x13400] =	vst v63  }
0x46: {  	s24 =	simm.s32 $0x1600  }
0x47: {  	[tilespmem:s12], [sflag:$0x1] =	stream.indirect.gather.add.f32 [hbm:s3], $0x80, s24, s11, $0xb8;
	[tilespmem:$0x13400] =	vst v63  }
0x48: {  	s25 =	simm.s32 $0x1800  }
0x49: {  	[tilespmem:s12], [sflag:$0x1] =	stream.indirect.gather.add.f32 [hbm:s3], $0x80, s25, s11, $0xb8;
	[tilespmem:$0x13400] =	vst v63  }
0x4a: {  	s26 =	simm.s32 $0x1A00  }
0x4b: {  	[tilespmem:s12], [sflag:$0x1] =	stream.indirect.gather.add.f32 [hbm:s3], $0x80, s26, s11, $0xb8;
	[tilespmem:$0x13400] =	vst v63  }
0x4c: {  	s22 =	simm.s32 $0x1C00  }
0x4d: {  	[tilespmem:s12], [sflag:$0x1] =	stream.indirect.gather.add.f32 [hbm:s3], $0x80, s22, s11, $0xb8;
	[tilespmem:$0x13400] =	vst v63  }
0x4e: {  	s24 =	simm.s32 $0x1E00  }
0x4f: {  	[tilespmem:s12], [sflag:$0x1] =	stream.indirect.gather.add.f32 [hbm:s3], $0x80, s24, s11, $0xb8;
	[tilespmem:$0x13400] =	vst v63  }
0x50: {  	s25 =	simm.s32 $0x2000  }
0x51: {  	[tilespmem:s12], [sflag:$0x1] =	stream.indirect.gather.add.f32 [hbm:s3], $0x80, s25, s11, $0xb8;
	[tilespmem:$0x13400] =	vst v63  }
0x52: {  	s26 =	simm.s32 $0x2200  }
0x53: {  	[tilespmem:s12], [sflag:$0x1] =	stream.indirect.gather.add.f32 [hbm:s3], $0x80, s26, s11, $0xb8;
	[tilespmem:$0x13400] =	vst v63  }
0x54: {  	s22 =	simm.s32 $0x2400  }
0x55: {  	[tilespmem:s12], [sflag:$0x1] =	stream.indirect.gather.add.f32 [hbm:s3], $0x80, s22, s11, $0xb8;
	[tilespmem:$0x13400] =	vst v63  }
0x56: {  	s24 =	simm.s32 $0x2600  }
0x57: {  	[tilespmem:s12], [sflag:$0x1] =	stream.indirect.gather.add.f32 [hbm:s3], $0x80, s24, s11, $0xb8;
	[tilespmem:$0x13400] =	vst v63  }
0x58: {  	s25 =	simm.s32 $0x2800  }
0x59: {  	[tilespmem:s12], [sflag:$0x1] =	stream.indirect.gather.add.f32 [hbm:s3], $0x80, s25, s11, $0xb8;
	[tilespmem:$0x13400] =	vst v63  }
0x5a: {  	s26 =	simm.s32 $0x2A00  }
0x5b: {  	[tilespmem:s12], [sflag:$0x1] =	stream.indirect.gather.add.f32 [hbm:s3], $0x80, s26, s11, $0xb8;
	[tilespmem:$0x13400] =	vst v63  }
0x5c: {  	s22 =	simm.s32 $0x2C00  }
0x5d: {  	[tilespmem:s12], [sflag:$0x1] =	stream.indirect.gather.add.f32 [hbm:s3], $0x80, s22, s11, $0xb8;
	[tilespmem:$0x13400] =	vst v63  }
0x5e: {  	s24 =	simm.s32 $0x2E00  }
0x5f: {  	[tilespmem:s12], [sflag:$0x1] =	stream.indirect.gather.add.f32 [hbm:s3], $0x80, s24, s11, $0xb8;
	[tilespmem:$0x13400] =	vst v63  }
0x60: {  	s25 =	simm.s32 $0x3000  }
0x61: {  	[tilespmem:s12], [sflag:$0x1] =	stream.indirect.gather.add.f32 [hbm:s3], $0x80, s25, s11, $0xb8;
	[tilespmem:$0x13400] =	vst v63  }
0x62: {  	s26 =	simm.s32 $0x3200  }
0x63: {  	[tilespmem:s12], [sflag:$0x1] =	stream.indirect.gather.add.f32 [hbm:s3], $0x80, s26, s11, $0xb8;
	[tilespmem:$0x13400] =	vst v63  }
0x64: {  	_ =	swait.ge [sflag:s29], $0x4000  }
0x65: {  	[sflag:s29] =	ssyncset.done $0x0  }
0x66: {  	s22 =	simm.s32 $0x280;
	[sflag:s29] =	ssyncadd.s32 $0xFFFFC000  }
0x67: {  	[tilespmem:s13], [sflag:$0x2] =	stream.indirect.gather.add.f32 [hbm:s3], $0x80, s22, s11, $0xb8;
	[tilespmem:$0x13400] =	vst v63  }
0x68: {  	s24 =	simm.s32 $0x480  }
0x69: {  	[tilespmem:s13], [sflag:$0x2] =	stream.indirect.gather.add.f32 [hbm:s3], $0x80, s24, s11, $0xb8;
	[tilespmem:$0x13400] =	vst v63  }
0x6a: {  	s25 =	simm.s32 $0x680  }
0x6b: {  	[tilespmem:s13], [sflag:$0x2] =	stream.indirect.gather.add.f32 [hbm:s3], $0x80, s25, s11, $0xb8;
	[tilespmem:$0x13400] =	vst v63  }
0x6c: {  	s26 =	simm.s32 $0x880  }
0x6d: {  	[tilespmem:s13], [sflag:$0x2] =	stream.indirect.gather.add.f32 [hbm:s3], $0x80, s26, s11, $0xb8;
	[tilespmem:$0x13400] =	vst v63  }
0x6e: {  	s22 =	simm.s32 $0xA80  }
0x6f: {  	[tilespmem:s13], [sflag:$0x2] =	stream.indirect.gather.add.f32 [hbm:s3], $0x80, s22, s11, $0xb8;
	[tilespmem:$0x13400] =	vst v63  }
0x70: {  	s24 =	simm.s32 $0xC80  }
0x71: {  	[tilespmem:s13], [sflag:$0x2] =	stream.indirect.gather.add.f32 [hbm:s3], $0x80, s24, s11, $0xb8;
	[tilespmem:$0x13400] =	vst v63  }
0x72: {  	s25 =	simm.s32 $0xE80  }
0x73: {  	[tilespmem:s13], [sflag:$0x2] =	stream.indirect.gather.add.f32 [hbm:s3], $0x80, s25, s11, $0xb8;
	[tilespmem:$0x13400] =	vst v63  }
0x74: {  	s26 =	simm.s32 $0x1080  }
0x75: {  	[tilespmem:s13], [sflag:$0x2] =	stream.indirect.gather.add.f32 [hbm:s3], $0x80, s26, s11, $0xb8;
	[tilespmem:$0x13400] =	vst v63  }
0x76: {  	s22 =	simm.s32 $0x1280  }
0x77: {  	[tilespmem:s13], [sflag:$0x2] =	stream.indirect.gather.add.f32 [hbm:s3], $0x80, s22, s11, $0xb8;
	[tilespmem:$0x13400] =	vst v63  }
0x78: {  	s24 =	simm.s32 $0x1480  }
0x79: {  	[tilespmem:s13], [sflag:$0x2] =	stream.indirect.gather.add.f32 [hbm:s3], $0x80, s24, s11, $0xb8;
	[tilespmem:$0x13400] =	vst v63  }
0x7a: {  	s25 =	simm.s32 $0x1680  }
0x7b: {  	[tilespmem:s13], [sflag:$0x2] =	stream.indirect.gather.add.f32 [hbm:s3], $0x80, s25, s11, $0xb8;
	[tilespmem:$0x13400] =	vst v63  }
0x7c: {  	s26 =	simm.s32 $0x1880  }
0x7d: {  	[tilespmem:s13], [sflag:$0x2] =	stream.indirect.gather.add.f32 [hbm:s3], $0x80, s26, s11, $0xb8;
	[tilespmem:$0x13400] =	vst v63  }
0x7e: {  	s22 =	simm.s32 $0x1A80  }
0x7f: {  	[tilespmem:s13], [sflag:$0x2] =	stream.indirect.gather.add.f32 [hbm:s3], $0x80, s22, s11, $0xb8;
	[tilespmem:$0x13400] =	vst v63  }
0x80: {  	s24 =	simm.s32 $0x1C80  }
0x81: {  	[tilespmem:s13], [sflag:$0x2] =	stream.indirect.gather.add.f32 [hbm:s3], $0x80, s24, s11, $0xb8;
	[tilespmem:$0x13400] =	vst v63  }
0x82: {  	s25 =	simm.s32 $0x1E80  }
0x83: {  	[tilespmem:s13], [sflag:$0x2] =	stream.indirect.gather.add.f32 [hbm:s3], $0x80, s25, s11, $0xb8;
	[tilespmem:$0x13400] =	vst v63  }
0x84: {  	s26 =	simm.s32 $0x2080  }
0x85: {  	[tilespmem:s13], [sflag:$0x2] =	stream.indirect.gather.add.f32 [hbm:s3], $0x80, s26, s11, $0xb8;
	[tilespmem:$0x13400] =	vst v63  }
0x86: {  	s22 =	simm.s32 $0x2280  }
0x87: {  	[tilespmem:s13], [sflag:$0x2] =	stream.indirect.gather.add.f32 [hbm:s3], $0x80, s22, s11, $0xb8;
	[tilespmem:$0x13400] =	vst v63  }
0x88: {  	s24 =	simm.s32 $0x2480  }
0x89: {  	[tilespmem:s13], [sflag:$0x2] =	stream.indirect.gather.add.f32 [hbm:s3], $0x80, s24, s11, $0xb8;
	[tilespmem:$0x13400] =	vst v63  }
0x8a: {  	s25 =	simm.s32 $0x2680  }
0x8b: {  	[tilespmem:s13], [sflag:$0x2] =	stream.indirect.gather.add.f32 [hbm:s3], $0x80, s25, s11, $0xb8;
	[tilespmem:$0x13400] =	vst v63  }
0x8c: {  	s26 =	simm.s32 $0x2880  }
0x8d: {  	[tilespmem:s13], [sflag:$0x2] =	stream.indirect.gather.add.f32 [hbm:s3], $0x80, s26, s11, $0xb8;
	[tilespmem:$0x13400] =	vst v63  }
0x8e: {  	s22 =	simm.s32 $0x2A80  }
0x8f: {  	[tilespmem:s13], [sflag:$0x2] =	stream.indirect.gather.add.f32 [hbm:s3], $0x80, s22, s11, $0xb8;
	[tilespmem:$0x13400] =	vst v63  }
0x90: {  	s24 =	simm.s32 $0x2C80  }
0x91: {  	[tilespmem:s13], [sflag:$0x2] =	stream.indirect.gather.add.f32 [hbm:s3], $0x80, s24, s11, $0xb8;
	[tilespmem:$0x13400] =	vst v63  }
0x92: {  	s25 =	simm.s32 $0x2E80  }
0x93: {  	[tilespmem:s13], [sflag:$0x2] =	stream.indirect.gather.add.f32 [hbm:s3], $0x80, s25, s11, $0xb8;
	[tilespmem:$0x13400] =	vst v63  }
0x94: {  	s26 =	simm.s32 $0x3080  }
0x95: {  	[tilespmem:s13], [sflag:$0x2] =	stream.indirect.gather.add.f32 [hbm:s3], $0x80, s26, s11, $0xb8;
	[tilespmem:$0x13400] =	vst v63  }
0x96: {  	s22 =	simm.s32 $0x3280  }
0x97: {  	[tilespmem:s13], [sflag:$0x2] =	stream.indirect.gather.add.f32 [hbm:s3], $0x80, s22, s11, $0xb8;
	[tilespmem:$0x13400] =	vst v63  }
0x98: {  	_ =	swait.ge [sflag:s23], $0x4000  }
0x99: {  	[sflag:s23] =	ssyncset.done $0x0  }
0x9a: {  	s24 =	simm.s32 $0x300;
	[sflag:s23] =	ssyncadd.s32 $0xFFFFC000  }
0x9b: {  	[tilespmem:s15], [sflag:$0x3] =	stream.indirect.gather.add.f32 [hbm:s3], $0x80, s24, s11, $0xb8;
	[tilespmem:$0x13400] =	vst v63  }
0x9c: {  	s25 =	simm.s32 $0x500  }
0x9d: {  	[tilespmem:s15], [sflag:$0x3] =	stream.indirect.gather.add.f32 [hbm:s3], $0x80, s25, s11, $0xb8;
	[tilespmem:$0x13400] =	vst v63  }
0x9e: {  	s26 =	simm.s32 $0x700  }
0x9f: {  	[tilespmem:s15], [sflag:$0x3] =	stream.indirect.gather.add.f32 [hbm:s3], $0x80, s26, s11, $0xb8;
	[tilespmem:$0x13400] =	vst v63  }
0xa0: {  	s22 =	simm.s32 $0x900  }
0xa1: {  	[tilespmem:s15], [sflag:$0x3] =	stream.indirect.gather.add.f32 [hbm:s3], $0x80, s22, s11, $0xb8;
	[tilespmem:$0x13400] =	vst v63  }
0xa2: {  	s24 =	simm.s32 $0xB00  }
0xa3: {  	[tilespmem:s15], [sflag:$0x3] =	stream.indirect.gather.add.f32 [hbm:s3], $0x80, s24, s11, $0xb8;
	[tilespmem:$0x13400] =	vst v63  }
0xa4: {  	s25 =	simm.s32 $0xD00  }
0xa5: {  	[tilespmem:s15], [sflag:$0x3] =	stream.indirect.gather.add.f32 [hbm:s3], $0x80, s25, s11, $0xb8;
	[tilespmem:$0x13400] =	vst v63  }
0xa6: {  	s26 =	simm.s32 $0xF00  }
0xa7: {  	[tilespmem:s15], [sflag:$0x3] =	stream.indirect.gather.add.f32 [hbm:s3], $0x80, s26, s11, $0xb8;
	[tilespmem:$0x13400] =	vst v63  }
0xa8: {  	s22 =	simm.s32 $0x1100  }
0xa9: {  	[tilespmem:s15], [sflag:$0x3] =	stream.indirect.gather.add.f32 [hbm:s3], $0x80, s22, s11, $0xb8;
	[tilespmem:$0x13400] =	vst v63  }
0xaa: {  	s24 =	simm.s32 $0x1300  }
0xab: {  	[tilespmem:s15], [sflag:$0x3] =	stream.indirect.gather.add.f32 [hbm:s3], $0x80, s24, s11, $0xb8;
	[tilespmem:$0x13400] =	vst v63  }
0xac: {  	s25 =	simm.s32 $0x1500  }
0xad: {  	[tilespmem:s15], [sflag:$0x3] =	stream.indirect.gather.add.f32 [hbm:s3], $0x80, s25, s11, $0xb8;
	[tilespmem:$0x13400] =	vst v63  }
0xae: {  	s26 =	simm.s32 $0x1700  }
0xaf: {  	[tilespmem:s15], [sflag:$0x3] =	stream.indirect.gather.add.f32 [hbm:s3], $0x80, s26, s11, $0xb8;
	[tilespmem:$0x13400] =	vst v63  }
0xb0: {  	s22 =	simm.s32 $0x1900  }
0xb1: {  	[tilespmem:s15], [sflag:$0x3] =	stream.indirect.gather.add.f32 [hbm:s3], $0x80, s22, s11, $0xb8;
	[tilespmem:$0x13400] =	vst v63  }
0xb2: {  	s24 =	simm.s32 $0x1B00  }
0xb3: {  	[tilespmem:s15], [sflag:$0x3] =	stream.indirect.gather.add.f32 [hbm:s3], $0x80, s24, s11, $0xb8;
	[tilespmem:$0x13400] =	vst v63  }
0xb4: {  	s25 =	simm.s32 $0x1D00  }
0xb5: {  	[tilespmem:s15], [sflag:$0x3] =	stream.indirect.gather.add.f32 [hbm:s3], $0x80, s25, s11, $0xb8;
	[tilespmem:$0x13400] =	vst v63  }
0xb6: {  	s26 =	simm.s32 $0x1F00  }
0xb7: {  	[tilespmem:s15], [sflag:$0x3] =	stream.indirect.gather.add.f32 [hbm:s3], $0x80, s26, s11, $0xb8;
	[tilespmem:$0x13400] =	vst v63  }
0xb8: {  	s22 =	simm.s32 $0x2100  }
0xb9: {  	[tilespmem:s15], [sflag:$0x3] =	stream.indirect.gather.add.f32 [hbm:s3], $0x80, s22, s11, $0xb8;
	[tilespmem:$0x13400] =	vst v63  }
0xba: {  	s24 =	simm.s32 $0x2300  }
0xbb: {  	[tilespmem:s15], [sflag:$0x3] =	stream.indirect.gather.add.f32 [hbm:s3], $0x80, s24, s11, $0xb8;
	[tilespmem:$0x13400] =	vst v63  }
0xbc: {  	s25 =	simm.s32 $0x2500  }
0xbd: {  	[tilespmem:s15], [sflag:$0x3] =	stream.indirect.gather.add.f32 [hbm:s3], $0x80, s25, s11, $0xb8;
	[tilespmem:$0x13400] =	vst v63  }
0xbe: {  	s26 =	simm.s32 $0x2700  }
0xbf: {  	[tilespmem:s15], [sflag:$0x3] =	stream.indirect.gather.add.f32 [hbm:s3], $0x80, s26, s11, $0xb8;
	[tilespmem:$0x13400] =	vst v63  }
0xc0: {  	s22 =	simm.s32 $0x2900  }
0xc1: {  	[tilespmem:s15], [sflag:$0x3] =	stream.indirect.gather.add.f32 [hbm:s3], $0x80, s22, s11, $0xb8;
	[tilespmem:$0x13400] =	vst v63  }
0xc2: {  	s24 =	simm.s32 $0x2B00  }
0xc3: {  	[tilespmem:s15], [sflag:$0x3] =	stream.indirect.gather.add.f32 [hbm:s3], $0x80, s24, s11, $0xb8;
	[tilespmem:$0x13400] =	vst v63  }
0xc4: {  	s25 =	simm.s32 $0x2D00  }
0xc5: {  	[tilespmem:s15], [sflag:$0x3] =	stream.indirect.gather.add.f32 [hbm:s3], $0x80, s25, s11, $0xb8;
	[tilespmem:$0x13400] =	vst v63  }
0xc6: {  	s26 =	simm.s32 $0x2F00  }
0xc7: {  	[tilespmem:s15], [sflag:$0x3] =	stream.indirect.gather.add.f32 [hbm:s3], $0x80, s26, s11, $0xb8;
	[tilespmem:$0x13400] =	vst v63  }
0xc8: {  	s22 =	simm.s32 $0x3100  }
0xc9: {  	[tilespmem:s15], [sflag:$0x3] =	stream.indirect.gather.add.f32 [hbm:s3], $0x80, s22, s11, $0xb8;
	[tilespmem:$0x13400] =	vst v63  }
0xca: {  	s24 =	simm.s32 $0x3300  }
0xcb: {  	[tilespmem:s15], [sflag:$0x3] =	stream.indirect.gather.add.f32 [hbm:s3], $0x80, s24, s11, $0xb8;
	[tilespmem:$0x13400] =	vst v63  }
0xcc: {  	_ =	swait.ge [sflag:s20], $0x4000  }
0xcd: {  	[sflag:s20] =	ssyncset.done $0x0  }
0xce: {  	s25 =	simm.s32 $0x380;
	[sflag:s20] =	ssyncadd.s32 $0xFFFFC000  }
0xcf: {  	[tilespmem:s17], [sflag:$0x4] =	stream.indirect.gather.add.f32 [hbm:s3], $0x80, s25, s11, $0xb8;
	[tilespmem:$0x13400] =	vst v63  }
0xd0: {  	s26 =	simm.s32 $0x580  }
0xd1: {  	[tilespmem:s17], [sflag:$0x4] =	stream.indirect.gather.add.f32 [hbm:s3], $0x80, s26, s11, $0xb8;
	[tilespmem:$0x13400] =	vst v63  }
0xd2: {  	s22 =	simm.s32 $0x780  }
0xd3: {  	[tilespmem:s17], [sflag:$0x4] =	stream.indirect.gather.add.f32 [hbm:s3], $0x80, s22, s11, $0xb8;
	[tilespmem:$0x13400] =	vst v63  }
0xd4: {  	s24 =	simm.s32 $0x980  }
0xd5: {  	[tilespmem:s17], [sflag:$0x4] =	stream.indirect.gather.add.f32 [hbm:s3], $0x80, s24, s11, $0xb8;
	[tilespmem:$0x13400] =	vst v63  }
0xd6: {  	s25 =	simm.s32 $0xB80  }
0xd7: {  	[tilespmem:s17], [sflag:$0x4] =	stream.indirect.gather.add.f32 [hbm:s3], $0x80, s25, s11, $0xb8;
	[tilespmem:$0x13400] =	vst v63  }
0xd8: {  	s26 =	simm.s32 $0xD80  }
0xd9: {  	[tilespmem:s17], [sflag:$0x4] =	stream.indirect.gather.add.f32 [hbm:s3], $0x80, s26, s11, $0xb8;
	[tilespmem:$0x13400] =	vst v63  }
0xda: {  	s22 =	simm.s32 $0xF80  }
0xdb: {  	[tilespmem:s17], [sflag:$0x4] =	stream.indirect.gather.add.f32 [hbm:s3], $0x80, s22, s11, $0xb8;
	[tilespmem:$0x13400] =	vst v63  }
0xdc: {  	s24 =	simm.s32 $0x1180  }
0xdd: {  	[tilespmem:s17], [sflag:$0x4] =	stream.indirect.gather.add.f32 [hbm:s3], $0x80, s24, s11, $0xb8;
	[tilespmem:$0x13400] =	vst v63  }
0xde: {  	s25 =	simm.s32 $0x1380  }
0xdf: {  	[tilespmem:s17], [sflag:$0x4] =	stream.indirect.gather.add.f32 [hbm:s3], $0x80, s25, s11, $0xb8;
	[tilespmem:$0x13400] =	vst v63  }
0xe0: {  	s26 =	simm.s32 $0x1580  }
0xe1: {  	[tilespmem:s17], [sflag:$0x4] =	stream.indirect.gather.add.f32 [hbm:s3], $0x80, s26, s11, $0xb8;
	[tilespmem:$0x13400] =	vst v63  }
0xe2: {  	s22 =	simm.s32 $0x1780  }
0xe3: {  	[tilespmem:s17], [sflag:$0x4] =	stream.indirect.gather.add.f32 [hbm:s3], $0x80, s22, s11, $0xb8;
	[tilespmem:$0x13400] =	vst v63  }
0xe4: {  	s24 =	simm.s32 $0x1980  }
0xe5: {  	[tilespmem:s17], [sflag:$0x4] =	stream.indirect.gather.add.f32 [hbm:s3], $0x80, s24, s11, $0xb8;
	[tilespmem:$0x13400] =	vst v63  }
0xe6: {  	s25 =	simm.s32 $0x1B80  }
0xe7: {  	[tilespmem:s17], [sflag:$0x4] =	stream.indirect.gather.add.f32 [hbm:s3], $0x80, s25, s11, $0xb8;
	[tilespmem:$0x13400] =	vst v63  }
0xe8: {  	s26 =	simm.s32 $0x1D80  }
0xe9: {  	[tilespmem:s17], [sflag:$0x4] =	stream.indirect.gather.add.f32 [hbm:s3], $0x80, s26, s11, $0xb8;
	[tilespmem:$0x13400] =	vst v63  }
0xea: {  	s22 =	simm.s32 $0x1F80  }
0xeb: {  	[tilespmem:s17], [sflag:$0x4] =	stream.indirect.gather.add.f32 [hbm:s3], $0x80, s22, s11, $0xb8;
	[tilespmem:$0x13400] =	vst v63  }
0xec: {  	s24 =	simm.s32 $0x2180  }
0xed: {  	[tilespmem:s17], [sflag:$0x4] =	stream.indirect.gather.add.f32 [hbm:s3], $0x80, s24, s11, $0xb8;
	[tilespmem:$0x13400] =	vst v63  }
0xee: {  	s25 =	simm.s32 $0x2380  }
0xef: {  	[tilespmem:s17], [sflag:$0x4] =	stream.indirect.gather.add.f32 [hbm:s3], $0x80, s25, s11, $0xb8;
	[tilespmem:$0x13400] =	vst v63  }
0xf0: {  	s26 =	simm.s32 $0x2580  }
0xf1: {  	[tilespmem:s17], [sflag:$0x4] =	stream.indirect.gather.add.f32 [hbm:s3], $0x80, s26, s11, $0xb8;
	[tilespmem:$0x13400] =	vst v63  }
0xf2: {  	_ = 	snop  }
0xf3: {  	[tilespmem:s17], [sflag:$0x4] =	stream.indirect.gather.add.f32 [hbm:s3], $0x80, s28, s11, $0xb8;
	[tilespmem:$0x13400] =	vst v63  }
0xf4: {  	_ = 	snop  }
0xf5: {  	[tilespmem:s17], [sflag:$0x4] =	stream.indirect.gather.add.f32 [hbm:s3], $0x80, s30, s11, $0xb8;
	[tilespmem:$0x13400] =	vst v63  }
0xf6: {  	_ = 	snop  }
0xf7: {  	[tilespmem:s17], [sflag:$0x4] =	stream.indirect.gather.add.f32 [hbm:s3], $0x80, s31, s11, $0xb8;
	[tilespmem:$0x13400] =	vst v63  }
0xf8: {  	_ = 	snop  }
0xf9: {  	[tilespmem:s17], [sflag:$0x4] =	stream.indirect.gather.add.f32 [hbm:s3], $0x80, s1, s11, $0xb8;
	[tilespmem:$0x13400] =	vst v63  }
0xfa: {  	_ = 	snop  }
0xfb: {  	[tilespmem:s17], [sflag:$0x4] =	stream.indirect.gather.add.f32 [hbm:s3], $0x80, s0, s11, $0xb8;
	[tilespmem:$0x13400] =	vst v63  }
0xfc: {  	_ = 	snop  }
0xfd: {  	[tilespmem:s17], [sflag:$0x4] =	stream.indirect.gather.add.f32 [hbm:s3], $0x80, s14, s11, $0xb8;
	[tilespmem:$0x13400] =	vst v63  }
0xfe: {  	_ = 	snop  }
0xff: {  	[tilespmem:s17], [sflag:$0x4] =	stream.indirect.gather.add.f32 [hbm:s3], $0x80, s16, s11, $0xb8;
	[tilespmem:$0x13400] =	vst v63  }
0x100: {  	_ =	swait.ge [sflag:s18], $0x4000  }
0x101: {  	[sflag:s18] =	ssyncset.done $0x0  }
0x102: {  	[sflag:s18] =	ssyncadd.s32 $0xFFFFC000  }
0x103: {  	_ =	swait.ge [sflag:s18], $0x4000  }
0x104: {  	[sflag:s18] =	ssyncset.done $0x0  }
0x105: {  	[sflag:s18] =	ssyncadd.s32 $0xFFFFC000  }
0x106: {  	_ =	swait.ge [sflag:s18], $0x4000  }
0x107: {  	[sflag:s18] =	ssyncset.done $0x0  }
0x108: {  	[sflag:s18] =	ssyncadd.s32 $0xFFFFC000  }
0x109: {  	_ =	swait.ge [sflag:s18], $0x4000  }
0x10a: {  	[sflag:s18] =	ssyncset.done $0x0  }
0x10b: {  	[sflag:s18] =	ssyncadd.s32 $0xFFFFC000  }
0x10c: {  	_ =	swait.ge [sflag:s18], $0x4000  }
0x10d: {  	[sflag:s18] =	ssyncset.done $0x0  }
0x10e: {  	[sflag:s18] =	ssyncadd.s32 $0xFFFFC000  }
0x10f: {  	_ =	swait.ge [sflag:s18], $0x4000  }
0x110: {  	[sflag:s18] =	ssyncset.done $0x0  }
0x111: {  	[sflag:s18] =	ssyncadd.s32 $0xFFFFC000  }
0x112: {  	_ =	swait.ge [sflag:s18], $0x4000  }
0x113: {  	[sflag:s18] =	ssyncset.done $0x0  }
0x114: {  	[sflag:s18] =	ssyncadd.s32 $0xFFFFC000  }
0x115: {  	_ =	swait.ge [sflag:s18], $0x4000  }
0x116: {  	[sflag:s18] =	ssyncset.done $0x0  }
0x117: {  	[sflag:s18] =	ssyncadd.s32 $0xFFFFC000  }
0x118: {  	_ =	swait.ge [sflag:s18], $0x4000  }
0x119: {  	[sflag:s18] =	ssyncset.done $0x0  }
0x11a: {  	[sflag:s18] =	ssyncadd.s32 $0xFFFFC000  }
0x11b: {  	_ =	swait.ge [sflag:s18], $0x4000  }
0x11c: {  	[sflag:s18] =	ssyncset.done $0x0  }
0x11d: {  	[sflag:s18] =	ssyncadd.s32 $0xFFFFC000  }
0x11e: {  	_ =	swait.ge [sflag:s18], $0x4000  }
0x11f: {  	[sflag:s18] =	ssyncset.done $0x0  }
0x120: {  	[sflag:s18] =	ssyncadd.s32 $0xFFFFC000  }
0x121: {  	_ =	swait.ge [sflag:s18], $0x4000  }
0x122: {  	[sflag:s18] =	ssyncset.done $0x0  }
0x123: {  	[sflag:s18] =	ssyncadd.s32 $0xFFFFC000  }
0x124: {  	_ =	swait.ge [sflag:s18], $0x4000  }
0x125: {  	[sflag:s18] =	ssyncset.done $0x0  }
0x126: {  	[sflag:s18] =	ssyncadd.s32 $0xFFFFC000  }
0x127: {  	_ =	swait.ge [sflag:s18], $0x4000  }
0x128: {  	[sflag:s18] =	ssyncset.done $0x0  }
0x129: {  	[sflag:s18] =	ssyncadd.s32 $0xFFFFC000  }
0x12a: {  	_ =	swait.ge [sflag:s18], $0x4000  }
0x12b: {  	[sflag:s18] =	ssyncset.done $0x0  }
0x12c: {  	[sflag:s18] =	ssyncadd.s32 $0xFFFFC000  }
0x12d: {  	_ =	swait.ge [sflag:s18], $0x4000  }
0x12e: {  	[sflag:s18] =	ssyncset.done $0x0  }
0x12f: {  	[sflag:s18] =	ssyncadd.s32 $0xFFFFC000  }
0x130: {  	_ =	swait.ge [sflag:s18], $0x4000  }
0x131: {  	[sflag:s18] =	ssyncset.done $0x0  }
0x132: {  	[sflag:s18] =	ssyncadd.s32 $0xFFFFC000  }
0x133: {  	_ =	swait.ge [sflag:s18], $0x4000  }
0x134: {  	[sflag:s18] =	ssyncset.done $0x0  }
0x135: {  	[sflag:s18] =	ssyncadd.s32 $0xFFFFC000  }
0x136: {  	_ =	swait.ge [sflag:s18], $0x4000  }
0x137: {  	[sflag:s18] =	ssyncset.done $0x0  }
0x138: {  	[sflag:s18] =	ssyncadd.s32 $0xFFFFC000  }
0x139: {  	_ =	swait.ge [sflag:s18], $0x4000  }
0x13a: {  	[sflag:s18] =	ssyncset.done $0x0  }
0x13b: {  	[sflag:s18] =	ssyncadd.s32 $0xFFFFC000  }
0x13c: {  	_ =	swait.ge [sflag:s18], $0x4000  }
0x13d: {  	[sflag:s18] =	ssyncset.done $0x0  }
0x13e: {  	[sflag:s18] =	ssyncadd.s32 $0xFFFFC000  }
0x13f: {  	_ =	swait.ge [sflag:s18], $0x4000  }
0x140: {  	[sflag:s18] =	ssyncset.done $0x0  }
0x141: {  	[sflag:s18] =	ssyncadd.s32 $0xFFFFC000  }
0x142: {  	_ =	swait.ge [sflag:s18], $0x4000  }
0x143: {  	[sflag:s18] =	ssyncset.done $0x0  }
0x144: {  	[sflag:s18] =	ssyncadd.s32 $0xFFFFC000  }
0x145: {  	_ =	swait.ge [sflag:s18], $0x4000  }
0x146: {  	[sflag:s18] =	ssyncset.done $0x0  }
0x147: {  	[sflag:s18] =	ssyncadd.s32 $0xFFFFC000  }
0x148: {  	_ =	swait.ge [sflag:s18], $0x4000  }
0x149: {  	[sflag:s18] =	ssyncset.done $0x0  }
0x14a: {  	[sflag:s18] =	ssyncadd.s32 $0xFFFFC000  }
0x14b: {  	[hbm4b:s5+s2] =	stream.linear.scatter [tilespmem:s12], [sflag:$0x5], $0x4000, $0x38;
	[tilespmem:$0x13400] =	vst v63  }
0x14c: {  	_ =	swait.ge [sflag:s10], $0x4000  }
0x14d: {  	[sflag:s10] =	ssyncset.done $0x0  }
0x14e: {  	[sflag:s10] =	ssyncadd.s32 $0xFFFFC000  }
0x14f: {  	_ =	swait.ge [sflag:s29], $0x4000  }
0x150: {  	[sflag:s29] =	ssyncset.done $0x0  }
0x151: {  	[sflag:s29] =	ssyncadd.s32 $0xFFFFC000  }
0x152: {  	_ =	swait.ge [sflag:s29], $0x4000  }
0x153: {  	[sflag:s29] =	ssyncset.done $0x0  }
0x154: {  	[sflag:s29] =	ssyncadd.s32 $0xFFFFC000  }
0x155: {  	_ =	swait.ge [sflag:s29], $0x4000  }
0x156: {  	[sflag:s29] =	ssyncset.done $0x0  }
0x157: {  	[sflag:s29] =	ssyncadd.s32 $0xFFFFC000  }
0x158: {  	_ =	swait.ge [sflag:s29], $0x4000  }
0x159: {  	[sflag:s29] =	ssyncset.done $0x0  }
0x15a: {  	[sflag:s29] =	ssyncadd.s32 $0xFFFFC000  }
0x15b: {  	_ =	swait.ge [sflag:s29], $0x4000  }
0x15c: {  	[sflag:s29] =	ssyncset.done $0x0  }
0x15d: {  	[sflag:s29] =	ssyncadd.s32 $0xFFFFC000  }
0x15e: {  	_ =	swait.ge [sflag:s29], $0x4000  }
0x15f: {  	[sflag:s29] =	ssyncset.done $0x0  }
0x160: {  	[sflag:s29] =	ssyncadd.s32 $0xFFFFC000  }
0x161: {  	_ =	swait.ge [sflag:s29], $0x4000  }
0x162: {  	[sflag:s29] =	ssyncset.done $0x0  }
0x163: {  	[sflag:s29] =	ssyncadd.s32 $0xFFFFC000  }
0x164: {  	_ =	swait.ge [sflag:s29], $0x4000  }
0x165: {  	[sflag:s29] =	ssyncset.done $0x0  }
0x166: {  	[sflag:s29] =	ssyncadd.s32 $0xFFFFC000  }
0x167: {  	_ =	swait.ge [sflag:s29], $0x4000  }
0x168: {  	[sflag:s29] =	ssyncset.done $0x0  }
0x169: {  	[sflag:s29] =	ssyncadd.s32 $0xFFFFC000  }
0x16a: {  	_ =	swait.ge [sflag:s29], $0x4000  }
0x16b: {  	[sflag:s29] =	ssyncset.done $0x0  }
0x16c: {  	[sflag:s29] =	ssyncadd.s32 $0xFFFFC000  }
0x16d: {  	_ =	swait.ge [sflag:s29], $0x4000  }
0x16e: {  	[sflag:s29] =	ssyncset.done $0x0  }
0x16f: {  	[sflag:s29] =	ssyncadd.s32 $0xFFFFC000  }
0x170: {  	_ =	swait.ge [sflag:s29], $0x4000  }
0x171: {  	[sflag:s29] =	ssyncset.done $0x0  }
0x172: {  	[sflag:s29] =	ssyncadd.s32 $0xFFFFC000  }
0x173: {  	_ =	swait.ge [sflag:s29], $0x4000  }
0x174: {  	[sflag:s29] =	ssyncset.done $0x0  }
0x175: {  	[sflag:s29] =	ssyncadd.s32 $0xFFFFC000  }
0x176: {  	_ =	swait.ge [sflag:s29], $0x4000  }
0x177: {  	[sflag:s29] =	ssyncset.done $0x0  }
0x178: {  	[sflag:s29] =	ssyncadd.s32 $0xFFFFC000  }
0x179: {  	_ =	swait.ge [sflag:s29], $0x4000  }
0x17a: {  	[sflag:s29] =	ssyncset.done $0x0  }
0x17b: {  	[sflag:s29] =	ssyncadd.s32 $0xFFFFC000  }
0x17c: {  	_ =	swait.ge [sflag:s29], $0x4000  }
0x17d: {  	[sflag:s29] =	ssyncset.done $0x0  }
0x17e: {  	[sflag:s29] =	ssyncadd.s32 $0xFFFFC000  }
0x17f: {  	_ =	swait.ge [sflag:s29], $0x4000  }
0x180: {  	[sflag:s29] =	ssyncset.done $0x0  }
0x181: {  	[sflag:s29] =	ssyncadd.s32 $0xFFFFC000  }
0x182: {  	_ =	swait.ge [sflag:s29], $0x4000  }
0x183: {  	[sflag:s29] =	ssyncset.done $0x0  }
0x184: {  	[sflag:s29] =	ssyncadd.s32 $0xFFFFC000  }
0x185: {  	_ =	swait.ge [sflag:s29], $0x4000  }
0x186: {  	[sflag:s29] =	ssyncset.done $0x0  }
0x187: {  	[sflag:s29] =	ssyncadd.s32 $0xFFFFC000  }
0x188: {  	_ =	swait.ge [sflag:s29], $0x4000  }
0x189: {  	[sflag:s29] =	ssyncset.done $0x0  }
0x18a: {  	[sflag:s29] =	ssyncadd.s32 $0xFFFFC000  }
0x18b: {  	_ =	swait.ge [sflag:s29], $0x4000  }
0x18c: {  	[sflag:s29] =	ssyncset.done $0x0  }
0x18d: {  	[sflag:s29] =	ssyncadd.s32 $0xFFFFC000  }
0x18e: {  	_ =	swait.ge [sflag:s29], $0x4000  }
0x18f: {  	[sflag:s29] =	ssyncset.done $0x0  }
0x190: {  	[sflag:s29] =	ssyncadd.s32 $0xFFFFC000  }
0x191: {  	_ =	swait.ge [sflag:s29], $0x4000  }
0x192: {  	[sflag:s29] =	ssyncset.done $0x0  }
0x193: {  	[sflag:s29] =	ssyncadd.s32 $0xFFFFC000  }
0x194: {  	_ =	swait.ge [sflag:s29], $0x4000  }
0x195: {  	[sflag:s29] =	ssyncset.done $0x0  }
0x196: {  	[sflag:s29] =	ssyncadd.s32 $0xFFFFC000  }
0x197: {  	_ =	swait.ge [sflag:s29], $0x4000  }
0x198: {  	[sflag:s29] =	ssyncset.done $0x0  }
0x199: {  	[sflag:s29] =	ssyncadd.s32 $0xFFFFC000  }
0x19a: {  	[hbm4b:s6+s2] =	stream.linear.scatter [tilespmem:s13], [sflag:$0x5], $0x4000, $0x38;
	[tilespmem:$0x13400] =	vst v63  }
0x19b: {  	_ =	swait.ge [sflag:s10], $0x4000  }
0x19c: {  	[sflag:s10] =	ssyncset.done $0x0  }
0x19d: {  	[sflag:s10] =	ssyncadd.s32 $0xFFFFC000  }
0x19e: {  	_ =	swait.ge [sflag:s23], $0x4000  }
0x19f: {  	[sflag:s23] =	ssyncset.done $0x0  }
0x1a0: {  	[sflag:s23] =	ssyncadd.s32 $0xFFFFC000  }
0x1a1: {  	_ =	swait.ge [sflag:s23], $0x4000  }
0x1a2: {  	[sflag:s23] =	ssyncset.done $0x0  }
0x1a3: {  	[sflag:s23] =	ssyncadd.s32 $0xFFFFC000  }
0x1a4: {  	_ =	swait.ge [sflag:s23], $0x4000  }
0x1a5: {  	[sflag:s23] =	ssyncset.done $0x0  }
0x1a6: {  	[sflag:s23] =	ssyncadd.s32 $0xFFFFC000  }
0x1a7: {  	_ =	swait.ge [sflag:s23], $0x4000  }
0x1a8: {  	[sflag:s23] =	ssyncset.done $0x0  }
0x1a9: {  	[sflag:s23] =	ssyncadd.s32 $0xFFFFC000  }
0x1aa: {  	_ =	swait.ge [sflag:s23], $0x4000  }
0x1ab: {  	[sflag:s23] =	ssyncset.done $0x0  }
0x1ac: {  	[sflag:s23] =	ssyncadd.s32 $0xFFFFC000  }
0x1ad: {  	_ =	swait.ge [sflag:s23], $0x4000  }
0x1ae: {  	[sflag:s23] =	ssyncset.done $0x0  }
0x1af: {  	[sflag:s23] =	ssyncadd.s32 $0xFFFFC000  }
0x1b0: {  	_ =	swait.ge [sflag:s23], $0x4000  }
0x1b1: {  	[sflag:s23] =	ssyncset.done $0x0  }
0x1b2: {  	[sflag:s23] =	ssyncadd.s32 $0xFFFFC000  }
0x1b3: {  	_ =	swait.ge [sflag:s23], $0x4000  }
0x1b4: {  	[sflag:s23] =	ssyncset.done $0x0  }
0x1b5: {  	[sflag:s23] =	ssyncadd.s32 $0xFFFFC000  }
0x1b6: {  	_ =	swait.ge [sflag:s23], $0x4000  }
0x1b7: {  	[sflag:s23] =	ssyncset.done $0x0  }
0x1b8: {  	[sflag:s23] =	ssyncadd.s32 $0xFFFFC000  }
0x1b9: {  	_ =	swait.ge [sflag:s23], $0x4000  }
0x1ba: {  	[sflag:s23] =	ssyncset.done $0x0  }
0x1bb: {  	[sflag:s23] =	ssyncadd.s32 $0xFFFFC000  }
0x1bc: {  	_ =	swait.ge [sflag:s23], $0x4000  }
0x1bd: {  	[sflag:s23] =	ssyncset.done $0x0  }
0x1be: {  	[sflag:s23] =	ssyncadd.s32 $0xFFFFC000  }
0x1bf: {  	_ =	swait.ge [sflag:s23], $0x4000  }
0x1c0: {  	[sflag:s23] =	ssyncset.done $0x0  }
0x1c1: {  	[sflag:s23] =	ssyncadd.s32 $0xFFFFC000  }
0x1c2: {  	_ =	swait.ge [sflag:s23], $0x4000  }
0x1c3: {  	[sflag:s23] =	ssyncset.done $0x0  }
0x1c4: {  	[sflag:s23] =	ssyncadd.s32 $0xFFFFC000  }
0x1c5: {  	_ =	swait.ge [sflag:s23], $0x4000  }
0x1c6: {  	[sflag:s23] =	ssyncset.done $0x0  }
0x1c7: {  	[sflag:s23] =	ssyncadd.s32 $0xFFFFC000  }
0x1c8: {  	_ =	swait.ge [sflag:s23], $0x4000  }
0x1c9: {  	[sflag:s23] =	ssyncset.done $0x0  }
0x1ca: {  	[sflag:s23] =	ssyncadd.s32 $0xFFFFC000  }
0x1cb: {  	_ =	swait.ge [sflag:s23], $0x4000  }
0x1cc: {  	[sflag:s23] =	ssyncset.done $0x0  }
0x1cd: {  	[sflag:s23] =	ssyncadd.s32 $0xFFFFC000  }
0x1ce: {  	_ =	swait.ge [sflag:s23], $0x4000  }
0x1cf: {  	[sflag:s23] =	ssyncset.done $0x0  }
0x1d0: {  	[sflag:s23] =	ssyncadd.s32 $0xFFFFC000  }
0x1d1: {  	_ =	swait.ge [sflag:s23], $0x4000  }
0x1d2: {  	[sflag:s23] =	ssyncset.done $0x0  }
0x1d3: {  	[sflag:s23] =	ssyncadd.s32 $0xFFFFC000  }
0x1d4: {  	_ =	swait.ge [sflag:s23], $0x4000  }
0x1d5: {  	[sflag:s23] =	ssyncset.done $0x0  }
0x1d6: {  	[sflag:s23] =	ssyncadd.s32 $0xFFFFC000  }
0x1d7: {  	_ =	swait.ge [sflag:s23], $0x4000  }
0x1d8: {  	[sflag:s23] =	ssyncset.done $0x0  }
0x1d9: {  	[sflag:s23] =	ssyncadd.s32 $0xFFFFC000  }
0x1da: {  	_ =	swait.ge [sflag:s23], $0x4000  }
0x1db: {  	[sflag:s23] =	ssyncset.done $0x0  }
0x1dc: {  	[sflag:s23] =	ssyncadd.s32 $0xFFFFC000  }
0x1dd: {  	_ =	swait.ge [sflag:s23], $0x4000  }
0x1de: {  	[sflag:s23] =	ssyncset.done $0x0  }
0x1df: {  	[sflag:s23] =	ssyncadd.s32 $0xFFFFC000  }
0x1e0: {  	_ =	swait.ge [sflag:s23], $0x4000  }
0x1e1: {  	[sflag:s23] =	ssyncset.done $0x0  }
0x1e2: {  	[sflag:s23] =	ssyncadd.s32 $0xFFFFC000  }
0x1e3: {  	_ =	swait.ge [sflag:s23], $0x4000  }
0x1e4: {  	[sflag:s23] =	ssyncset.done $0x0  }
0x1e5: {  	[sflag:s23] =	ssyncadd.s32 $0xFFFFC000  }
0x1e6: {  	_ =	swait.ge [sflag:s23], $0x4000  }
0x1e7: {  	[sflag:s23] =	ssyncset.done $0x0  }
0x1e8: {  	[sflag:s23] =	ssyncadd.s32 $0xFFFFC000  }
0x1e9: {  	[hbm4b:s7+s2] =	stream.linear.scatter [tilespmem:s15], [sflag:$0x5], $0x4000, $0x38;
	[tilespmem:$0x13400] =	vst v63  }
0x1ea: {  	_ =	swait.ge [sflag:s10], $0x4000  }
0x1eb: {  	[sflag:s10] =	ssyncset.done $0x0  }
0x1ec: {  	[sflag:s10] =	ssyncadd.s32 $0xFFFFC000  }
0x1ed: {  	_ =	swait.ge [sflag:s20], $0x4000  }
0x1ee: {  	[sflag:s20] =	ssyncset.done $0x0  }
0x1ef: {  	[sflag:s20] =	ssyncadd.s32 $0xFFFFC000  }
0x1f0: {  	_ =	swait.ge [sflag:s20], $0x4000  }
0x1f1: {  	[sflag:s20] =	ssyncset.done $0x0  }
0x1f2: {  	[sflag:s20] =	ssyncadd.s32 $0xFFFFC000  }
0x1f3: {  	_ =	swait.ge [sflag:s20], $0x4000  }
0x1f4: {  	[sflag:s20] =	ssyncset.done $0x0  }
0x1f5: {  	[sflag:s20] =	ssyncadd.s32 $0xFFFFC000  }
0x1f6: {  	_ =	swait.ge [sflag:s20], $0x4000  }
0x1f7: {  	[sflag:s20] =	ssyncset.done $0x0  }
0x1f8: {  	[sflag:s20] =	ssyncadd.s32 $0xFFFFC000  }
0x1f9: {  	_ =	swait.ge [sflag:s20], $0x4000  }
0x1fa: {  	[sflag:s20] =	ssyncset.done $0x0  }
0x1fb: {  	[sflag:s20] =	ssyncadd.s32 $0xFFFFC000  }
0x1fc: {  	_ =	swait.ge [sflag:s20], $0x4000  }
0x1fd: {  	[sflag:s20] =	ssyncset.done $0x0  }
0x1fe: {  	[sflag:s20] =	ssyncadd.s32 $0xFFFFC000  }
0x1ff: {  	_ =	swait.ge [sflag:s20], $0x4000  }
0x200: {  	[sflag:s20] =	ssyncset.done $0x0  }
0x201: {  	[sflag:s20] =	ssyncadd.s32 $0xFFFFC000  }
0x202: {  	_ =	swait.ge [sflag:s20], $0x4000  }
0x203: {  	[sflag:s20] =	ssyncset.done $0x0  }
0x204: {  	[sflag:s20] =	ssyncadd.s32 $0xFFFFC000  }
0x205: {  	_ =	swait.ge [sflag:s20], $0x4000  }
0x206: {  	[sflag:s20] =	ssyncset.done $0x0  }
0x207: {  	[sflag:s20] =	ssyncadd.s32 $0xFFFFC000  }
0x208: {  	_ =	swait.ge [sflag:s20], $0x4000  }
0x209: {  	[sflag:s20] =	ssyncset.done $0x0  }
0x20a: {  	[sflag:s20] =	ssyncadd.s32 $0xFFFFC000  }
0x20b: {  	_ =	swait.ge [sflag:s20], $0x4000  }
0x20c: {  	[sflag:s20] =	ssyncset.done $0x0  }
0x20d: {  	[sflag:s20] =	ssyncadd.s32 $0xFFFFC000  }
0x20e: {  	_ =	swait.ge [sflag:s20], $0x4000  }
0x20f: {  	[sflag:s20] =	ssyncset.done $0x0  }
0x210: {  	[sflag:s20] =	ssyncadd.s32 $0xFFFFC000  }
0x211: {  	_ =	swait.ge [sflag:s20], $0x4000  }
0x212: {  	[sflag:s20] =	ssyncset.done $0x0  }
0x213: {  	[sflag:s20] =	ssyncadd.s32 $0xFFFFC000  }
0x214: {  	_ =	swait.ge [sflag:s20], $0x4000  }
0x215: {  	[sflag:s20] =	ssyncset.done $0x0  }
0x216: {  	[sflag:s20] =	ssyncadd.s32 $0xFFFFC000  }
0x217: {  	_ =	swait.ge [sflag:s20], $0x4000  }
0x218: {  	[sflag:s20] =	ssyncset.done $0x0  }
0x219: {  	[sflag:s20] =	ssyncadd.s32 $0xFFFFC000  }
0x21a: {  	_ =	swait.ge [sflag:s20], $0x4000  }
0x21b: {  	[sflag:s20] =	ssyncset.done $0x0  }
0x21c: {  	[sflag:s20] =	ssyncadd.s32 $0xFFFFC000  }
0x21d: {  	_ =	swait.ge [sflag:s20], $0x4000  }
0x21e: {  	[sflag:s20] =	ssyncset.done $0x0  }
0x21f: {  	[sflag:s20] =	ssyncadd.s32 $0xFFFFC000  }
0x220: {  	_ =	swait.ge [sflag:s20], $0x4000  }
0x221: {  	[sflag:s20] =	ssyncset.done $0x0  }
0x222: {  	[sflag:s20] =	ssyncadd.s32 $0xFFFFC000  }
0x223: {  	_ =	swait.ge [sflag:s20], $0x4000  }
0x224: {  	[sflag:s20] =	ssyncset.done $0x0  }
0x225: {  	[sflag:s20] =	ssyncadd.s32 $0xFFFFC000  }
0x226: {  	_ =	swait.ge [sflag:s20], $0x4000  }
0x227: {  	[sflag:s20] =	ssyncset.done $0x0  }
0x228: {  	[sflag:s20] =	ssyncadd.s32 $0xFFFFC000  }
0x229: {  	_ =	swait.ge [sflag:s20], $0x4000  }
0x22a: {  	[sflag:s20] =	ssyncset.done $0x0  }
0x22b: {  	[sflag:s20] =	ssyncadd.s32 $0xFFFFC000  }
0x22c: {  	_ =	swait.ge [sflag:s20], $0x4000  }
0x22d: {  	[sflag:s20] =	ssyncset.done $0x0  }
0x22e: {  	[sflag:s20] =	ssyncadd.s32 $0xFFFFC000  }
0x22f: {  	_ =	swait.ge [sflag:s20], $0x4000  }
0x230: {  	[sflag:s20] =	ssyncset.done $0x0  }
0x231: {  	[sflag:s20] =	ssyncadd.s32 $0xFFFFC000  }
0x232: {  	_ =	swait.ge [sflag:s20], $0x4000  }
0x233: {  	[sflag:s20] =	ssyncset.done $0x0  }
0x234: {  	[sflag:s20] =	ssyncadd.s32 $0xFFFFC000  }
0x235: {  	s19 =	sadd.s32 $0x1, s19;
	_ =	swait.ge [sflag:s20], $0x4000  }
0x236: {  	p0 =	sne.s32 s19, s9;
	[sflag:s20] =	ssyncset.done $0x0  }
.Ltmp1:
0x237: {  	[sflag:s20] =	ssyncadd.s32 $0xFFFFC000;
	(pc) =	sbr.rel @p0 .LBB2_1-.Ltmp1, $4  }
0x238: {  	[hbm4b:s8+s2] =	stream.linear.scatter [tilespmem:s17], [sflag:$0x5], $0x4000, $0x38;
	[tilespmem:$0x13400] =	vst v63  }
0x239: {  	_ =	swait.ge [sflag:s10], $0x4000  }
0x23a: {  	[sflag:s10] =	ssyncset.done $0x0  }
0x23b: {  	[sflag:s10] =	ssyncadd.s32 $0xFFFFC000  }
0x23c: {  	_ =	sfence.sel $0x180000  }
0x23d: {  	[bflag:$0x0] =	sbarrier.arrive $0xFFFF  }
0x23e: {  	_ =	strace $0x90000047  }
0x23f: {  	s0 =	stileid.u32;
	[bflag:$0x2] =	sbarrier.arrive $0xFFFF  }
0x240: {  	p0 =	sne.s32 s0, $0x0;
	s0 =	rddreg [dreg:$0x2]  }
0x241: {  	s0 =	sadd.s32 @!p0 $0x100000, s0  }
0x242: {  	[sflag:s0] =	ssyncadd.tile.s32 @!p0 $0x1;
	_ =	shalt  }
.Lfunc_end2:
_tile_overlayer_lowered:
.L_overlay_start_2:
0x243: {  	(tag) =	ssettag $0x2  }
0x244: {  	s0 =	rddreg [dreg:$0x0];
	s2 =	stileid.u32  }
0x245: {  	s1 =	rddreg [dreg:$0x1];
	p0 =	sne.s32 s2, $0x0  }
0x246: {  	s3 =	rddreg [dreg:$0x2];
	[bflag:$0x3] =	sbarrier.arrive $0xFFFF;
	s2 =	simm.s32 @!p0 $0x1C05  }
0x247: {  	[timem:s3], [sflag:s2] =	dma.local @!p0 [hbm:s0], s1  }
0x248: {  	s0 =	simm.s32 @!p0 $0x5  }
0x249: {  	_ =	swait.ge @!p0 [sflag:s0], s1  }
0x24a: {  	s1 =	ssub.s32 @!p0 $0x0, s1;
	[sflag:s0] =	ssyncset.done @!p0 $0x0  }
0x24b: {  	[sflag:s0] =	ssyncadd.s32 @!p0 s1  }
0x24c: {  	[bflag:$0x3] =	sbarrier.arrive $0xFFFF  }
0x24d: {  	_ =	shalt  }

</sc_bundles>
